<compile_context>
chip_gen: v7x
topology: tpu7x:2x2x1
jax: 0.10.2.dev20260603
libtpu: 0.0.44.dev20260713+nightly
codegen_flags: <defaults>
</compile_context>

<pallas_src>
import functools

import numpy as np

import jax
import jax.numpy as jnp
from jax import lax
from jax.experimental import pallas as pl
from jax.experimental.pallas import tpu as pltpu
from jax.experimental.pallas import tpu_sc as plsc

_C = 1000
_CPAD = 1024
_D = 128
_N = 16384
_MOM = 0.9

_NC = 2
_NT = 16
_NW = _NC * _NT
_ROWS_PER_TILE = _N // _NW
_CHUNK = 256
_LCHUNK = 128
_NCHUNK = _ROWS_PER_TILE // _CHUNK
_LROWS = _ROWS_PER_TILE // _LCHUNK
_RB = _CPAD // _NT


def _sc_body(feat, lab, tfeat, tlab, zeros_hbm, zcnt_hbm, ones_hbm,
             sums_f, cnt_f, sums_t, cnt_t,
             fbuf0, fbuf1, fbuf2, lab_v, ones_v, zcnt_v,
             acc_f, acc_t, cntacc_f, cntacc_t,
             sem_init, sem_cnt, sem0, sem1, sem2):
    cid = lax.axis_index("c")
    sid = lax.axis_index("s")
    wid = cid * _NT + sid
    base = wid * _ROWS_PER_TILE

    init_f = [
        pltpu.async_copy(zeros_hbm, acc_f.at[pl.ds(sid * _RB, _RB)], sem_init),
        pltpu.async_copy(zcnt_hbm, zcnt_v, sem_init),
        pltpu.async_copy(lab.at[pl.ds(wid * _LROWS, _LROWS)],
                         lab_v.at[pl.ds(0, _LROWS)], sem_init),
        pltpu.async_copy(tlab.at[pl.ds(wid * _LROWS, _LROWS)],
                         lab_v.at[pl.ds(_LROWS, _LROWS)], sem_init),
        pltpu.async_copy(ones_hbm, ones_v, sem_init),
    ]

    bufs = (fbuf0, fbuf1, fbuf2)
    sems = (sem0, sem1, sem2)
    nchunks = 2 * _NCHUNK

    def chunk_src(i):
        src = feat if i < _NCHUNK else tfeat
        off = base + (i % _NCHUNK) * _CHUNK
        return src.at[pl.ds(off, _CHUNK)]

    copies = [pltpu.async_copy(chunk_src(i), bufs[i % 3], sems[i % 3])
              for i in range(min(3, nchunks))]

    for c in init_f:
        c.wait()
    pltpu.sync_copy(zcnt_v, cntacc_f.at[pl.ds(sid * _RB, _RB)])
    plsc.subcore_barrier()

    def scatter_chunks(lo, hi, acc, cntacc):
        cnt_copies = []
        for i in range(lo, hi):
            copies[i].wait()
            buf = bufs[i % 3]
            for h in range(_CHUNK // _LCHUNK):
                lrow = lab_v.at[i * (_CHUNK // _LCHUNK) + h]
                cnt_copies.append(
                    pltpu.async_copy(ones_v, cntacc.at[lrow], sem_cnt, add=True))
                pltpu.sync_copy(buf.at[pl.ds(h * _LCHUNK, _LCHUNK)],
                                acc.at[lrow], add=True)
            if i + 3 < nchunks:
                copies.append(
                    pltpu.async_copy(chunk_src(i + 3), bufs[(i + 3) % 3],
                                     sems[(i + 3) % 3]))
        for c in cnt_copies:
            c.wait()

    init_t = pltpu.async_copy(zeros_hbm, acc_t.at[pl.ds(sid * _RB, _RB)],
                              sem_init)
    scatter_chunks(0, _NCHUNK, acc_f, cntacc_f)
    init_t.wait()
    pltpu.sync_copy(zcnt_v, cntacc_t.at[pl.ds(sid * _RB, _RB)])
    plsc.subcore_barrier()

    out_f = pltpu.async_copy(acc_f.at[pl.ds(sid * _RB, _RB)],
                             sums_f.at[cid].at[pl.ds(sid * _RB, _RB)], sem_init)
    pltpu.sync_copy(cntacc_f.at[pl.ds(sid * _RB, _RB)], zcnt_v)
    pltpu.sync_copy(zcnt_v, cnt_f.at[cid].at[pl.ds(sid * _RB, _RB)])
    scatter_chunks(_NCHUNK, nchunks, acc_t, cntacc_t)
    plsc.subcore_barrier()

    out_t = pltpu.async_copy(acc_t.at[pl.ds(sid * _RB, _RB)],
                             sums_t.at[cid].at[pl.ds(sid * _RB, _RB)], sem_init)
    pltpu.sync_copy(cntacc_t.at[pl.ds(sid * _RB, _RB)], zcnt_v)
    pltpu.sync_copy(zcnt_v, cnt_t.at[cid].at[pl.ds(sid * _RB, _RB)])
    out_f.wait()
    out_t.wait()


_sc_segsum = functools.partial(
    pl.kernel,
    out_type=[
        jax.ShapeDtypeStruct((_NC, _CPAD, _D), jnp.float32),
        jax.ShapeDtypeStruct((_NC, _CPAD), jnp.float32),
        jax.ShapeDtypeStruct((_NC, _CPAD, _D), jnp.float32),
        jax.ShapeDtypeStruct((_NC, _CPAD), jnp.float32),
    ],
    mesh=plsc.VectorSubcoreMesh(core_axis_name="c", subcore_axis_name="s"),
    scratch_types=[
        pltpu.VMEM((_CHUNK, _D), jnp.float32),
        pltpu.VMEM((_CHUNK, _D), jnp.float32),
        pltpu.VMEM((_CHUNK, _D), jnp.float32),
        pltpu.VMEM((2 * _LROWS, _LCHUNK), jnp.int32),
        pltpu.VMEM((_LCHUNK,), jnp.float32),
        pltpu.VMEM((_RB,), jnp.float32),
        pltpu.VMEM_SHARED((_CPAD, _D), jnp.float32),
        pltpu.VMEM_SHARED((_CPAD, _D), jnp.float32),
        pltpu.VMEM_SHARED((_CPAD,), jnp.float32),
        pltpu.VMEM_SHARED((_CPAD,), jnp.float32),
        pltpu.SemaphoreType.DMA,
        pltpu.SemaphoreType.DMA,
        pltpu.SemaphoreType.DMA,
        pltpu.SemaphoreType.DMA,
        pltpu.SemaphoreType.DMA,
    ],
)(_sc_body)


def _tc_body(sf_ref, cf_ref, st_ref, ct_ref, p_ref, tp_ref, dp_ref,
             newp_ref, newt_ref, loss_ref):
    mom = jnp.float32(_MOM)
    one_minus = jnp.float32(1.0 - _MOM)
    lane_ones = jnp.ones((_NC, _D), jnp.float32)

    def upd(sums3, cnt2, proto):
        sums = (sums3[0] + sums3[1])[:_C]
        counts = lax.dot_general(cnt2, lane_ones, (((0,), (0,)), ((), ())),
                                 preferred_element_type=jnp.float32)[:_C]
        means = sums / jnp.maximum(counts, 1.0)
        has = counts > 0.0
        uninit = jnp.sum(proto, axis=1, keepdims=True) == 0.0
        blended = jnp.where(uninit, means, mom * proto + one_minus * means)
        return jnp.where(has, blended, proto)

    newp = upd(sf_ref[...], cf_ref[...], p_ref[...])
    newt = upd(st_ref[...], ct_ref[...], tp_ref[...])
    newp_ref[...] = newp
    newt_ref[...] = newt

    dp = dp_ref[...]
    valid = (jnp.sum(newt, axis=1) != 0.0) & (jnp.sum(newp, axis=1) != 0.0)
    diff = newt - (newp + dp)
    align_err = jnp.sqrt(jnp.sum(diff * diff, axis=1))
    reg_pen = 0.5 * jnp.sqrt(jnp.sum(dp * dp, axis=1))
    per_class = jnp.where(valid, align_err + reg_pen, 0.0)
    nvalid = jnp.sum(valid.astype(jnp.float32))
    loss = jnp.where(nvalid > 0.0, jnp.sum(per_class) / jnp.maximum(nvalid, 1.0),
                     jnp.float32(0.0))
    loss_ref[...] = jnp.broadcast_to(loss, (1, 1))


_tc_finish = pl.pallas_call(
    _tc_body,
    out_shape=[
        jax.ShapeDtypeStruct((_C, _D), jnp.float32),
        jax.ShapeDtypeStruct((_C, _D), jnp.float32),
        jax.ShapeDtypeStruct((1, 1), jnp.float32),
    ],
)


def kernel(features, labels, t_features, t_pseudo_labels, prototypes,
           target_prototypes, delta_phi):
    lab2d = labels.astype(jnp.int32).reshape(_N // _LCHUNK, _LCHUNK)
    tlab2d = t_pseudo_labels.astype(jnp.int32).reshape(_N // _LCHUNK, _LCHUNK)
    zeros2d = np.zeros((_RB, _D), np.float32)
    zcnt1d = np.zeros((_RB,), np.float32)
    ones1d = np.ones((_LCHUNK,), np.float32)
    sums_f, cnt_f, sums_t, cnt_t = _sc_segsum(
        features, lab2d, t_features, tlab2d, zeros2d, zcnt1d, ones1d)
    newp, newt, loss = _tc_finish(
        sums_f, cnt_f, sums_t, cnt_t,
        prototypes, target_prototypes, delta_phi)
    return newp, newt, loss[0, 0]

# --- scband reference (transcript-rebuilt; emitter-appended) ---
"""Pipeline reference for scband-temporal-prototype-manager-51427938402447 (READ-ONLY COPY).

The authoritative reference and input builder live on the scoring server;
editing this copy changes nothing except your own understanding.
"""

import jax, jax.numpy as jnp
import numpy as np

C = 1000
D = 128
MOMENTUM = 0.9
N = 16384


def setup_inputs(seed: int = 0) -> dict:
    key = jax.random.key(seed)
    k1, k2, k3, k4, k5 = jax.random.split(key, 5)
    features = jax.random.normal(k1, (N, D), dtype=jnp.float32)
    labels = jax.random.randint(k2, (N,), 0, C)
    t_features = jax.random.normal(k3, (N, D), dtype=jnp.float32)
    t_pseudo_labels = jax.random.randint(k4, (N,), 0, C)
    prototypes = jnp.zeros((C, D), dtype=jnp.float32)
    target_prototypes = jnp.zeros((C, D), dtype=jnp.float32)
    delta_phi = jax.random.normal(k5, (C, D), dtype=jnp.float32) * 0.01
    return {
        'features': features,
        'labels': labels,
        't_features': t_features,
        't_pseudo_labels': t_pseudo_labels,
        'prototypes': prototypes,
        'target_prototypes': target_prototypes,
        'delta_phi': delta_phi,
    }


def _momentum_update(proto, feats, labels):
    # vectorized equivalent of the per-class loop:
    #   mask = labels == i; feat_mean = features[mask].mean(0)
    #   if proto[i].sum() == 0: proto[i] = feat_mean
    #   else: proto[i] = m * proto[i] + (1 - m) * feat_mean
    counts = jax.ops.segment_sum(jnp.ones((feats.shape[0],), dtype=feats.dtype), labels, num_segments=C)
    sums = jax.ops.segment_sum(feats, labels, num_segments=C)
    means = sums / jnp.clip(counts, 1.0)[:, None]
    has_samples = counts > 0
    is_uninit = proto.sum(axis=1) == 0
    blended = jnp.where(is_uninit[:, None], means, MOMENTUM * proto + (1.0 - MOMENTUM) * means)
    return jnp.where(has_samples[:, None], blended, proto)


def _aligned_loss(proto, target_proto, delta_phi):
    valid = (target_proto.sum(axis=1) != 0) & (proto.sum(axis=1) != 0)
    target_aligned = proto + delta_phi
    align_error = jnp.linalg.norm(target_proto - target_aligned, ord=2, axis=1)
    reg_penalty = 0.5 * jnp.linalg.norm(delta_phi, ord=2, axis=1)
    per_class = jnp.where(valid, align_error + reg_penalty, 0.0)
    count = valid.sum()
    return jnp.where(count > 0, per_class.sum() / jnp.maximum(count, 1).astype(per_class.dtype), jnp.array(0.0, dtype=per_class.dtype))


def reference(features, labels, t_features, t_pseudo_labels, prototypes, target_prototypes, delta_phi):
    # update() and update_target() run under torch.no_grad() -> stop_gradient
    new_prototypes = jax.lax.stop_gradient(_momentum_update(prototypes, features, labels))
    new_target_prototypes = jax.lax.stop_gradient(_momentum_update(target_prototypes, t_features, t_pseudo_labels))
    loss = _aligned_loss(new_prototypes, new_target_prototypes, delta_phi)
    return new_prototypes, new_target_prototypes, loss

if __name__ == "__main__":
    import jax
    _d = setup_inputs()
    print(jax.jit(kernel)(*tuple(_d.values())))

</pallas_src>

<mosaic_0001>
#map = affine_map<(d0, d1) -> (0, 0)>
#map1 = affine_map<(d0, d1) -> (0)>
#map2 = affine_map<(d0, d1) -> (0, 0, 0)>
module attributes {stable_mosaic.version = 14 : i64} {
  func.func @_sc_body(%arg0: i32, %arg1: i32, %arg2: memref<16384x128xf32, #tpu.memory_space<hbm>>, %arg3: memref<128x128xi32, #tpu.memory_space<hbm>>, %arg4: memref<16384x128xf32, #tpu.memory_space<hbm>>, %arg5: memref<128x128xi32, #tpu.memory_space<hbm>>, %arg6: memref<64x128xf32, #tpu.memory_space<hbm>>, %arg7: memref<64xf32, #tpu.memory_space<hbm>>, %arg8: memref<128xf32, #tpu.memory_space<hbm>>, %arg9: memref<2x1024x128xf32, #tpu.memory_space<hbm>>, %arg10: memref<2x1024xf32, #tpu.memory_space<hbm>>, %arg11: memref<2x1024x128xf32, #tpu.memory_space<hbm>>, %arg12: memref<2x1024xf32, #tpu.memory_space<hbm>>, %arg13: memref<256x128xf32, #tpu.memory_space<vmem>>, %arg14: memref<256x128xf32, #tpu.memory_space<vmem>>, %arg15: memref<256x128xf32, #tpu.memory_space<vmem>>, %arg16: memref<8x128xi32, #tpu.memory_space<vmem>>, %arg17: memref<128xf32, #tpu.memory_space<vmem>>, %arg18: memref<64xf32, #tpu.memory_space<vmem>>, %arg19: memref<1024x128xf32, #tpu.memory_space<vmem_shared>>, %arg20: memref<1024x128xf32, #tpu.memory_space<vmem_shared>>, %arg21: memref<1024xf32, #tpu.memory_space<vmem_shared>>, %arg22: memref<1024xf32, #tpu.memory_space<vmem_shared>>, %arg23: memref<!tpu.dma_semaphore, #tpu.memory_space<semaphore_mem>>, %arg24: memref<!tpu.dma_semaphore, #tpu.memory_space<semaphore_mem>>, %arg25: memref<!tpu.dma_semaphore, #tpu.memory_space<semaphore_mem>>, %arg26: memref<!tpu.dma_semaphore, #tpu.memory_space<semaphore_mem>>, %arg27: memref<!tpu.dma_semaphore, #tpu.memory_space<semaphore_mem>>) attributes {dimension_semantics = [#tpu.dimension_semantics<core_parallel>, #tpu.dimension_semantics<subcore_parallel>], iteration_bounds = array<i64: 2, 16>, scalar_prefetch = 0 : i64, scratch_operands = 15 : i64, tpu.core_type = #tpu.core_type<sc_vector_subcore>, window_params = [{transform_indices = #map}, {transform_indices = #map}, {transform_indices = #map}, {transform_indices = #map}, {transform_indices = #map}, {transform_indices = #map1}, {transform_indices = #map1}, {transform_indices = #map2}, {transform_indices = #map}, {transform_indices = #map2}, {transform_indices = #map}]} {
    %mul3A = arith.constant 16 : i32
    %mul3A_0 = arith.muli %arg0, %mul3A : i32
    %add3A = arith.addi %mul3A_0, %arg1 : i32
    %mul3A_1 = arith.constant 512 : i32
    %mul3A_2 = arith.muli %add3A, %mul3A_1 : i32
    %mul3A_3 = arith.constant 64 : i32
    %mul3A_4 = arith.muli %arg1, %mul3A_3 : i32
    %dma_start3A = arith.constant 0 : i32
    %dma_start3A_5 = tpu.memref_slice %arg19[%mul3A_4, %dma_start3A] : memref<1024x128xf32, #tpu.memory_space<vmem_shared>> -> memref<64x128xf32, #tpu.memory_space<vmem_shared>>
    tpu.enqueue_dma source(%arg6 : memref<64x128xf32, #tpu.memory_space<hbm>>) target(%dma_start3A_5 : memref<64x128xf32, #tpu.memory_space<vmem_shared>>) target_semaphore(%arg23 : memref<!tpu.dma_semaphore, #tpu.memory_space<semaphore_mem>>)
    tpu.enqueue_dma source(%arg7 : memref<64xf32, #tpu.memory_space<hbm>>) target(%arg18 : memref<64xf32, #tpu.memory_space<vmem>>) target_semaphore(%arg23 : memref<!tpu.dma_semaphore, #tpu.memory_space<semaphore_mem>>)
    %mul3A_6 = arith.constant 4 : i32
    %mul3A_7 = arith.muli %add3A, %mul3A_6 : i32
    %dma_start3A_8 = arith.constant 0 : i32
    %dma_start3A_9 = arith.constant 0 : i32
    %dma_start3A_10 = tpu.memref_slice %arg16[%dma_start3A_8, %dma_start3A_9] : memref<8x128xi32, #tpu.memory_space<vmem>> -> memref<4x128xi32, #tpu.memory_space<vmem>>
    %dma_start3A_11 = arith.constant 0 : i32
    %dma_start3A_12 = tpu.memref_slice %arg3[%mul3A_7, %dma_start3A_11] : memref<128x128xi32, #tpu.memory_space<hbm>> -> memref<4x128xi32, #tpu.memory_space<hbm>>
    %dma_start3A_13 = arith.constant 0 : i32
    %dma_start3A_14 = arith.constant 0 : i32
    %dma_start3A_15 = tpu.memref_slice %arg16[%dma_start3A_13, %dma_start3A_14] : memref<8x128xi32, #tpu.memory_space<vmem>> -> memref<4x128xi32, #tpu.memory_space<vmem>>
    %dma_start3A_16 = arith.constant 0 : i32
    %dma_start3A_17 = tpu.memref_slice %arg3[%mul3A_7, %dma_start3A_16] : memref<128x128xi32, #tpu.memory_space<hbm>> -> memref<4x128xi32, #tpu.memory_space<hbm>>
    tpu.enqueue_dma source(%dma_start3A_17 : memref<4x128xi32, #tpu.memory_space<hbm>>) target(%dma_start3A_15 : memref<4x128xi32, #tpu.memory_space<vmem>>) target_semaphore(%arg23 : memref<!tpu.dma_semaphore, #tpu.memory_space<semaphore_mem>>)
    %mul3A_18 = arith.constant 4 : i32
    %mul3A_19 = arith.muli %add3A, %mul3A_18 : i32
    %dma_start3A_20 = arith.constant 4 : i32
    %dma_start3A_21 = arith.constant 0 : i32
    %dma_start3A_22 = tpu.memref_slice %arg16[%dma_start3A_20, %dma_start3A_21] : memref<8x128xi32, #tpu.memory_space<vmem>> -> memref<4x128xi32, #tpu.memory_space<vmem>>
    %dma_start3A_23 = arith.constant 0 : i32
    %dma_start3A_24 = tpu.memref_slice %arg5[%mul3A_19, %dma_start3A_23] : memref<128x128xi32, #tpu.memory_space<hbm>> -> memref<4x128xi32, #tpu.memory_space<hbm>>
    %dma_start3A_25 = arith.constant 4 : i32
    %dma_start3A_26 = arith.constant 0 : i32
    %dma_start3A_27 = tpu.memref_slice %arg16[%dma_start3A_25, %dma_start3A_26] : memref<8x128xi32, #tpu.memory_space<vmem>> -> memref<4x128xi32, #tpu.memory_space<vmem>>
    %dma_start3A_28 = arith.constant 0 : i32
    %dma_start3A_29 = tpu.memref_slice %arg5[%mul3A_19, %dma_start3A_28] : memref<128x128xi32, #tpu.memory_space<hbm>> -> memref<4x128xi32, #tpu.memory_space<hbm>>
    tpu.enqueue_dma source(%dma_start3A_29 : memref<4x128xi32, #tpu.memory_space<hbm>>) target(%dma_start3A_27 : memref<4x128xi32, #tpu.memory_space<vmem>>) target_semaphore(%arg23 : memref<!tpu.dma_semaphore, #tpu.memory_space<semaphore_mem>>)
    tpu.enqueue_dma source(%arg8 : memref<128xf32, #tpu.memory_space<hbm>>) target(%arg17 : memref<128xf32, #tpu.memory_space<vmem>>) target_semaphore(%arg23 : memref<!tpu.dma_semaphore, #tpu.memory_space<semaphore_mem>>)
    %add3A_30 = arith.constant 0 : i32
    %add3A_31 = arith.addi %mul3A_2, %add3A_30 : i32
    %dma_start3A_32 = arith.constant 0 : i32
    %dma_start3A_33 = tpu.memref_slice %arg2[%add3A_31, %dma_start3A_32] : memref<16384x128xf32, #tpu.memory_space<hbm>> -> memref<256x128xf32, #tpu.memory_space<hbm>>
    %dma_start3A_34 = arith.constant 0 : i32
    %dma_start3A_35 = tpu.memref_slice %arg2[%add3A_31, %dma_start3A_34] : memref<16384x128xf32, #tpu.memory_space<hbm>> -> memref<256x128xf32, #tpu.memory_space<hbm>>
    tpu.enqueue_dma source(%dma_start3A_35 : memref<256x128xf32, #tpu.memory_space<hbm>>) target(%arg13 : memref<256x128xf32, #tpu.memory_space<vmem>>) target_semaphore(%arg25 : memref<!tpu.dma_semaphore, #tpu.memory_space<semaphore_mem>>)
    %add3A_36 = arith.constant 256 : i32
    %add3A_37 = arith.addi %mul3A_2, %add3A_36 : i32
    %dma_start3A_38 = arith.constant 0 : i32
    %dma_start3A_39 = tpu.memref_slice %arg2[%add3A_37, %dma_start3A_38] : memref<16384x128xf32, #tpu.memory_space<hbm>> -> memref<256x128xf32, #tpu.memory_space<hbm>>
    %dma_start3A_40 = arith.constant 0 : i32
    %dma_start3A_41 = tpu.memref_slice %arg2[%add3A_37, %dma_start3A_40] : memref<16384x128xf32, #tpu.memory_space<hbm>> -> memref<256x128xf32, #tpu.memory_space<hbm>>
    tpu.enqueue_dma source(%dma_start3A_41 : memref<256x128xf32, #tpu.memory_space<hbm>>) target(%arg14 : memref<256x128xf32, #tpu.memory_space<vmem>>) target_semaphore(%arg26 : memref<!tpu.dma_semaphore, #tpu.memory_space<semaphore_mem>>)
    %add3A_42 = arith.constant 0 : i32
    %add3A_43 = arith.addi %mul3A_2, %add3A_42 : i32
    %dma_start3A_44 = arith.constant 0 : i32
    %dma_start3A_45 = tpu.memref_slice %arg4[%add3A_43, %dma_start3A_44] : memref<16384x128xf32, #tpu.memory_space<hbm>> -> memref<256x128xf32, #tpu.memory_space<hbm>>
    %dma_start3A_46 = arith.constant 0 : i32
    %dma_start3A_47 = tpu.memref_slice %arg4[%add3A_43, %dma_start3A_46] : memref<16384x128xf32, #tpu.memory_space<hbm>> -> memref<256x128xf32, #tpu.memory_space<hbm>>
    tpu.enqueue_dma source(%dma_start3A_47 : memref<256x128xf32, #tpu.memory_space<hbm>>) target(%arg15 : memref<256x128xf32, #tpu.memory_space<vmem>>) target_semaphore(%arg27 : memref<!tpu.dma_semaphore, #tpu.memory_space<semaphore_mem>>)
    %dma_wait3A = arith.constant 0 : i32
    %dma_wait3A_48 = tpu.memref_slice %arg19[%mul3A_4, %dma_wait3A] : memref<1024x128xf32, #tpu.memory_space<vmem_shared>> -> memref<64x128xf32, #tpu.memory_space<vmem_shared>>
    tpu.wait_dma2 semaphore(%arg23 : memref<!tpu.dma_semaphore, #tpu.memory_space<semaphore_mem>>) src(%arg6 : memref<64x128xf32, #tpu.memory_space<hbm>>) dst(%dma_wait3A_48 : memref<64x128xf32, #tpu.memory_space<vmem_shared>>)
    tpu.wait_dma2 semaphore(%arg23 : memref<!tpu.dma_semaphore, #tpu.memory_space<semaphore_mem>>) src(%arg7 : memref<64xf32, #tpu.memory_space<hbm>>) dst(%arg18 : memref<64xf32, #tpu.memory_space<vmem>>)
    %dma_wait3A_49 = arith.constant 0 : i32
    %dma_wait3A_50 = arith.constant 0 : i32
    %dma_wait3A_51 = tpu.memref_slice %arg16[%dma_wait3A_49, %dma_wait3A_50] : memref<8x128xi32, #tpu.memory_space<vmem>> -> memref<4x128xi32, #tpu.memory_space<vmem>>
    %dma_wait3A_52 = arith.constant 0 : i32
    %dma_wait3A_53 = tpu.memref_slice %arg3[%mul3A_7, %dma_wait3A_52] : memref<128x128xi32, #tpu.memory_space<hbm>> -> memref<4x128xi32, #tpu.memory_space<hbm>>
    %dma_wait3A_54 = arith.constant 0 : i32
    %dma_wait3A_55 = arith.constant 0 : i32
    %dma_wait3A_56 = tpu.memref_slice %arg16[%dma_wait3A_54, %dma_wait3A_55] : memref<8x128xi32, #tpu.memory_space<vmem>> -> memref<4x128xi32, #tpu.memory_space<vmem>>
    %dma_wait3A_57 = arith.constant 0 : i32
    %dma_wait3A_58 = tpu.memref_slice %arg3[%mul3A_7, %dma_wait3A_57] : memref<128x128xi32, #tpu.memory_space<hbm>> -> memref<4x128xi32, #tpu.memory_space<hbm>>
    tpu.wait_dma2 semaphore(%arg23 : memref<!tpu.dma_semaphore, #tpu.memory_space<semaphore_mem>>) src(%dma_wait3A_58 : memref<4x128xi32, #tpu.memory_space<hbm>>) dst(%dma_wait3A_56 : memref<4x128xi32, #tpu.memory_space<vmem>>)
    %dma_wait3A_59 = arith.constant 4 : i32
    %dma_wait3A_60 = arith.constant 0 : i32
    %dma_wait3A_61 = tpu.memref_slice %arg16[%dma_wait3A_59, %dma_wait3A_60] : memref<8x128xi32, #tpu.memory_space<vmem>> -> memref<4x128xi32, #tpu.memory_space<vmem>>
    %dma_wait3A_62 = arith.constant 0 : i32
    %dma_wait3A_63 = tpu.memref_slice %arg5[%mul3A_19, %dma_wait3A_62] : memref<128x128xi32, #tpu.memory_space<hbm>> -> memref<4x128xi32, #tpu.memory_space<hbm>>
    %dma_wait3A_64 = arith.constant 4 : i32
    %dma_wait3A_65 = arith.constant 0 : i32
    %dma_wait3A_66 = tpu.memref_slice %arg16[%dma_wait3A_64, %dma_wait3A_65] : memref<8x128xi32, #tpu.memory_space<vmem>> -> memref<4x128xi32, #tpu.memory_space<vmem>>
    %dma_wait3A_67 = arith.constant 0 : i32
    %dma_wait3A_68 = tpu.memref_slice %arg5[%mul3A_19, %dma_wait3A_67] : memref<128x128xi32, #tpu.memory_space<hbm>> -> memref<4x128xi32, #tpu.memory_space<hbm>>
    tpu.wait_dma2 semaphore(%arg23 : memref<!tpu.dma_semaphore, #tpu.memory_space<semaphore_mem>>) src(%dma_wait3A_68 : memref<4x128xi32, #tpu.memory_space<hbm>>) dst(%dma_wait3A_66 : memref<4x128xi32, #tpu.memory_space<vmem>>)
    tpu.wait_dma2 semaphore(%arg23 : memref<!tpu.dma_semaphore, #tpu.memory_space<semaphore_mem>>) src(%arg8 : memref<128xf32, #tpu.memory_space<hbm>>) dst(%arg17 : memref<128xf32, #tpu.memory_space<vmem>>)
    %mul3A_69 = arith.constant 64 : i32
    %mul3A_70 = arith.muli %arg1, %mul3A_69 : i32
    "tpu.region"() ({
      %run_scoped3A_254 = tpu.sem_alloc : memref<!tpu.dma_semaphore, #tpu.memory_space<semaphore_mem>>
      %dma_start3A_255 = tpu.memref_slice %arg21[%mul3A_70] : memref<1024xf32, #tpu.memory_space<vmem_shared>> -> memref<64xf32, #tpu.memory_space<vmem_shared>>
      %dma_start3A_256 = tpu.memref_slice %arg21[%mul3A_70] : memref<1024xf32, #tpu.memory_space<vmem_shared>> -> memref<64xf32, #tpu.memory_space<vmem_shared>>
      tpu.enqueue_dma source(%arg18 : memref<64xf32, #tpu.memory_space<vmem>>) target(%dma_start3A_256 : memref<64xf32, #tpu.memory_space<vmem_shared>>) target_semaphore(%run_scoped3A_254 : memref<!tpu.dma_semaphore, #tpu.memory_space<semaphore_mem>>)
      %dma_wait3A_257 = tpu.memref_slice %arg21[%mul3A_70] : memref<1024xf32, #tpu.memory_space<vmem_shared>> -> memref<64xf32, #tpu.memory_space<vmem_shared>>
      %dma_wait3A_258 = tpu.memref_slice %arg21[%mul3A_70] : memref<1024xf32, #tpu.memory_space<vmem_shared>> -> memref<64xf32, #tpu.memory_space<vmem_shared>>
      tpu.wait_dma2 semaphore(%run_scoped3A_254 : memref<!tpu.dma_semaphore, #tpu.memory_space<semaphore_mem>>) src(%arg18 : memref<64xf32, #tpu.memory_space<vmem>>) dst(%dma_wait3A_258 : memref<64xf32, #tpu.memory_space<vmem_shared>>)
      tpu.yield
    }) : () -> ()
    %barrier3A = arith.constant 0 : index
    tpu.barrier barrier_id(%barrier3A)
    %mul3A_71 = arith.constant 64 : i32
    %mul3A_72 = arith.muli %arg1, %mul3A_71 : i32
    %dma_start3A_73 = arith.constant 0 : i32
    %dma_start3A_74 = tpu.memref_slice %arg20[%mul3A_72, %dma_start3A_73] : memref<1024x128xf32, #tpu.memory_space<vmem_shared>> -> memref<64x128xf32, #tpu.memory_space<vmem_shared>>
    tpu.enqueue_dma source(%arg6 : memref<64x128xf32, #tpu.memory_space<hbm>>) target(%dma_start3A_74 : memref<64x128xf32, #tpu.memory_space<vmem_shared>>) target_semaphore(%arg23 : memref<!tpu.dma_semaphore, #tpu.memory_space<semaphore_mem>>)
    %dma_wait3A_75 = arith.constant 0 : i32
    %dma_wait3A_76 = tpu.memref_slice %arg2[%add3A_31, %dma_wait3A_75] : memref<16384x128xf32, #tpu.memory_space<hbm>> -> memref<256x128xf32, #tpu.memory_space<hbm>>
    %dma_wait3A_77 = arith.constant 0 : i32
    %dma_wait3A_78 = tpu.memref_slice %arg2[%add3A_31, %dma_wait3A_77] : memref<16384x128xf32, #tpu.memory_space<hbm>> -> memref<256x128xf32, #tpu.memory_space<hbm>>
    tpu.wait_dma2 semaphore(%arg25 : memref<!tpu.dma_semaphore, #tpu.memory_space<semaphore_mem>>) src(%dma_wait3A_78 : memref<256x128xf32, #tpu.memory_space<hbm>>) dst(%arg13 : memref<256x128xf32, #tpu.memory_space<vmem>>)
    %dma_start3A_79 = arith.constant 0 : i32
    %dma_start3A_80 = arith.constant 0 : i32
    %dma_start3A_81 = tpu.memref_slice %arg16[%dma_start3A_79, %dma_start3A_80] : memref<8x128xi32, #tpu.memory_space<vmem>> -> memref<1x128xi32, #tpu.memory_space<vmem>>
    %dma_start3A_82 = tpu.memref_squeeze %dma_start3A_81 : memref<1x128xi32, #tpu.memory_space<vmem>> -> memref<128xi32, #tpu.memory_space<vmem>>
    %dma_start3A_83 = arith.constant 0 : i32
    %dma_start3A_84 = tpu.memref_slice %arg21[%dma_start3A_83] : memref<1024xf32, #tpu.memory_space<vmem_shared>> -> memref<1024xf32, #tpu.memory_space<vmem_shared>>
    tpu.enqueue_indirect_dma source(%arg17 : memref<128xf32, #tpu.memory_space<vmem>>) target(%dma_start3A_84 : memref<1024xf32, #tpu.memory_space<vmem_shared>>) offsets(%dma_start3A_82 : memref<128xi32, #tpu.memory_space<vmem>>) semaphore(%arg24 : memref<!tpu.dma_semaphore, #tpu.memory_space<semaphore_mem>>) {add = true}
    %run_scoped3A = arith.constant 0 : i32
    "tpu.region"() ({
      %run_scoped3A_254 = tpu.sem_alloc : memref<!tpu.dma_semaphore, #tpu.memory_space<semaphore_mem>>
      %dma_start3A_255 = arith.constant 0 : i32
      %dma_start3A_256 = arith.constant 0 : i32
      %dma_start3A_257 = tpu.memref_slice %arg13[%dma_start3A_255, %dma_start3A_256] : memref<256x128xf32, #tpu.memory_space<vmem>> -> memref<128x128xf32, #tpu.memory_space<vmem>>
      %dma_start3A_258 = arith.constant 0 : i32
      %dma_start3A_259 = tpu.memref_slice %arg16[%run_scoped3A, %dma_start3A_258] : memref<8x128xi32, #tpu.memory_space<vmem>> -> memref<1x128xi32, #tpu.memory_space<vmem>>
      %dma_start3A_260 = tpu.memref_squeeze %dma_start3A_259 : memref<1x128xi32, #tpu.memory_space<vmem>> -> memref<128xi32, #tpu.memory_space<vmem>>
      %dma_start3A_261 = arith.constant 0 : i32
      %dma_start3A_262 = arith.constant 0 : i32
      %dma_start3A_263 = tpu.memref_slice %arg19[%dma_start3A_261, %dma_start3A_262] : memref<1024x128xf32, #tpu.memory_space<vmem_shared>> -> memref<1024x128xf32, #tpu.memory_space<vmem_shared>>
      tpu.enqueue_indirect_dma source(%dma_start3A_257 : memref<128x128xf32, #tpu.memory_space<vmem>>) target(%dma_start3A_263 : memref<1024x128xf32, #tpu.memory_space<vmem_shared>>) offsets(%dma_start3A_260 : memref<128xi32, #tpu.memory_space<vmem>>) semaphore(%run_scoped3A_254 : memref<!tpu.dma_semaphore, #tpu.memory_space<semaphore_mem>>) {add = true}
      %dma_wait3A_264 = arith.constant 0 : i32
      %dma_wait3A_265 = arith.constant 0 : i32
      %dma_wait3A_266 = tpu.memref_slice %arg13[%dma_wait3A_264, %dma_wait3A_265] : memref<256x128xf32, #tpu.memory_space<vmem>> -> memref<128x128xf32, #tpu.memory_space<vmem>>
      %dma_wait3A_267 = arith.constant 0 : i32
      %dma_wait3A_268 = tpu.memref_slice %arg16[%run_scoped3A, %dma_wait3A_267] : memref<8x128xi32, #tpu.memory_space<vmem>> -> memref<1x128xi32, #tpu.memory_space<vmem>>
      %dma_wait3A_269 = tpu.memref_squeeze %dma_wait3A_268 : memref<1x128xi32, #tpu.memory_space<vmem>> -> memref<128xi32, #tpu.memory_space<vmem>>
      %dma_wait3A_270 = arith.constant 0 : i32
      %dma_wait3A_271 = arith.constant 0 : i32
      %dma_wait3A_272 = tpu.memref_slice %arg19[%dma_wait3A_270, %dma_wait3A_271] : memref<1024x128xf32, #tpu.memory_space<vmem_shared>> -> memref<1024x128xf32, #tpu.memory_space<vmem_shared>>
      tpu.wait_indirect_dma semaphore(%run_scoped3A_254 : memref<!tpu.dma_semaphore, #tpu.memory_space<semaphore_mem>>) src(%dma_wait3A_266 : memref<128x128xf32, #tpu.memory_space<vmem>>) dst(%dma_wait3A_272 : memref<1024x128xf32, #tpu.memory_space<vmem_shared>>)
      tpu.yield
    }) : () -> ()
    %dma_start3A_85 = arith.constant 1 : i32
    %dma_start3A_86 = arith.constant 0 : i32
    %dma_start3A_87 = tpu.memref_slice %arg16[%dma_start3A_85, %dma_start3A_86] : memref<8x128xi32, #tpu.memory_space<vmem>> -> memref<1x128xi32, #tpu.memory_space<vmem>>
    %dma_start3A_88 = tpu.memref_squeeze %dma_start3A_87 : memref<1x128xi32, #tpu.memory_space<vmem>> -> memref<128xi32, #tpu.memory_space<vmem>>
    %dma_start3A_89 = arith.constant 0 : i32
    %dma_start3A_90 = tpu.memref_slice %arg21[%dma_start3A_89] : memref<1024xf32, #tpu.memory_space<vmem_shared>> -> memref<1024xf32, #tpu.memory_space<vmem_shared>>
    tpu.enqueue_indirect_dma source(%arg17 : memref<128xf32, #tpu.memory_space<vmem>>) target(%dma_start3A_90 : memref<1024xf32, #tpu.memory_space<vmem_shared>>) offsets(%dma_start3A_88 : memref<128xi32, #tpu.memory_space<vmem>>) semaphore(%arg24 : memref<!tpu.dma_semaphore, #tpu.memory_space<semaphore_mem>>) {add = true}
    %run_scoped3A_91 = arith.constant 1 : i32
    "tpu.region"() ({
      %run_scoped3A_254 = tpu.sem_alloc : memref<!tpu.dma_semaphore, #tpu.memory_space<semaphore_mem>>
      %dma_start3A_255 = arith.constant 128 : i32
      %dma_start3A_256 = arith.constant 0 : i32
      %dma_start3A_257 = tpu.memref_slice %arg13[%dma_start3A_255, %dma_start3A_256] : memref<256x128xf32, #tpu.memory_space<vmem>> -> memref<128x128xf32, #tpu.memory_space<vmem>>
      %dma_start3A_258 = arith.constant 0 : i32
      %dma_start3A_259 = tpu.memref_slice %arg16[%run_scoped3A_91, %dma_start3A_258] : memref<8x128xi32, #tpu.memory_space<vmem>> -> memref<1x128xi32, #tpu.memory_space<vmem>>
      %dma_start3A_260 = tpu.memref_squeeze %dma_start3A_259 : memref<1x128xi32, #tpu.memory_space<vmem>> -> memref<128xi32, #tpu.memory_space<vmem>>
      %dma_start3A_261 = arith.constant 0 : i32
      %dma_start3A_262 = arith.constant 0 : i32
      %dma_start3A_263 = tpu.memref_slice %arg19[%dma_start3A_261, %dma_start3A_262] : memref<1024x128xf32, #tpu.memory_space<vmem_shared>> -> memref<1024x128xf32, #tpu.memory_space<vmem_shared>>
      tpu.enqueue_indirect_dma source(%dma_start3A_257 : memref<128x128xf32, #tpu.memory_space<vmem>>) target(%dma_start3A_263 : memref<1024x128xf32, #tpu.memory_space<vmem_shared>>) offsets(%dma_start3A_260 : memref<128xi32, #tpu.memory_space<vmem>>) semaphore(%run_scoped3A_254 : memref<!tpu.dma_semaphore, #tpu.memory_space<semaphore_mem>>) {add = true}
      %dma_wait3A_264 = arith.constant 128 : i32
      %dma_wait3A_265 = arith.constant 0 : i32
      %dma_wait3A_266 = tpu.memref_slice %arg13[%dma_wait3A_264, %dma_wait3A_265] : memref<256x128xf32, #tpu.memory_space<vmem>> -> memref<128x128xf32, #tpu.memory_space<vmem>>
      %dma_wait3A_267 = arith.constant 0 : i32
      %dma_wait3A_268 = tpu.memref_slice %arg16[%run_scoped3A_91, %dma_wait3A_267] : memref<8x128xi32, #tpu.memory_space<vmem>> -> memref<1x128xi32, #tpu.memory_space<vmem>>
      %dma_wait3A_269 = tpu.memref_squeeze %dma_wait3A_268 : memref<1x128xi32, #tpu.memory_space<vmem>> -> memref<128xi32, #tpu.memory_space<vmem>>
      %dma_wait3A_270 = arith.constant 0 : i32
      %dma_wait3A_271 = arith.constant 0 : i32
      %dma_wait3A_272 = tpu.memref_slice %arg19[%dma_wait3A_270, %dma_wait3A_271] : memref<1024x128xf32, #tpu.memory_space<vmem_shared>> -> memref<1024x128xf32, #tpu.memory_space<vmem_shared>>
      tpu.wait_indirect_dma semaphore(%run_scoped3A_254 : memref<!tpu.dma_semaphore, #tpu.memory_space<semaphore_mem>>) src(%dma_wait3A_266 : memref<128x128xf32, #tpu.memory_space<vmem>>) dst(%dma_wait3A_272 : memref<1024x128xf32, #tpu.memory_space<vmem_shared>>)
      tpu.yield
    }) : () -> ()
    %add3A_92 = arith.constant 256 : i32
    %add3A_93 = arith.addi %mul3A_2, %add3A_92 : i32
    %dma_start3A_94 = arith.constant 0 : i32
    %dma_start3A_95 = tpu.memref_slice %arg4[%add3A_93, %dma_start3A_94] : memref<16384x128xf32, #tpu.memory_space<hbm>> -> memref<256x128xf32, #tpu.memory_space<hbm>>
    %dma_start3A_96 = arith.constant 0 : i32
    %dma_start3A_97 = tpu.memref_slice %arg4[%add3A_93, %dma_start3A_96] : memref<16384x128xf32, #tpu.memory_space<hbm>> -> memref<256x128xf32, #tpu.memory_space<hbm>>
    tpu.enqueue_dma source(%dma_start3A_97 : memref<256x128xf32, #tpu.memory_space<hbm>>) target(%arg13 : memref<256x128xf32, #tpu.memory_space<vmem>>) target_semaphore(%arg25 : memref<!tpu.dma_semaphore, #tpu.memory_space<semaphore_mem>>)
    %dma_wait3A_98 = arith.constant 0 : i32
    %dma_wait3A_99 = tpu.memref_slice %arg2[%add3A_37, %dma_wait3A_98] : memref<16384x128xf32, #tpu.memory_space<hbm>> -> memref<256x128xf32, #tpu.memory_space<hbm>>
    %dma_wait3A_100 = arith.constant 0 : i32
    %dma_wait3A_101 = tpu.memref_slice %arg2[%add3A_37, %dma_wait3A_100] : memref<16384x128xf32, #tpu.memory_space<hbm>> -> memref<256x128xf32, #tpu.memory_space<hbm>>
    tpu.wait_dma2 semaphore(%arg26 : memref<!tpu.dma_semaphore, #tpu.memory_space<semaphore_mem>>) src(%dma_wait3A_101 : memref<256x128xf32, #tpu.memory_space<hbm>>) dst(%arg14 : memref<256x128xf32, #tpu.memory_space<vmem>>)
    %dma_start3A_102 = arith.constant 2 : i32
    %dma_start3A_103 = arith.constant 0 : i32
    %dma_start3A_104 = tpu.memref_slice %arg16[%dma_start3A_102, %dma_start3A_103] : memref<8x128xi32, #tpu.memory_space<vmem>> -> memref<1x128xi32, #tpu.memory_space<vmem>>
    %dma_start3A_105 = tpu.memref_squeeze %dma_start3A_104 : memref<1x128xi32, #tpu.memory_space<vmem>> -> memref<128xi32, #tpu.memory_space<vmem>>
    %dma_start3A_106 = arith.constant 0 : i32
    %dma_start3A_107 = tpu.memref_slice %arg21[%dma_start3A_106] : memref<1024xf32, #tpu.memory_space<vmem_shared>> -> memref<1024xf32, #tpu.memory_space<vmem_shared>>
    tpu.enqueue_indirect_dma source(%arg17 : memref<128xf32, #tpu.memory_space<vmem>>) target(%dma_start3A_107 : memref<1024xf32, #tpu.memory_space<vmem_shared>>) offsets(%dma_start3A_105 : memref<128xi32, #tpu.memory_space<vmem>>) semaphore(%arg24 : memref<!tpu.dma_semaphore, #tpu.memory_space<semaphore_mem>>) {add = true}
    %run_scoped3A_108 = arith.constant 2 : i32
    "tpu.region"() ({
      %run_scoped3A_254 = tpu.sem_alloc : memref<!tpu.dma_semaphore, #tpu.memory_space<semaphore_mem>>
      %dma_start3A_255 = arith.constant 0 : i32
      %dma_start3A_256 = arith.constant 0 : i32
      %dma_start3A_257 = tpu.memref_slice %arg14[%dma_start3A_255, %dma_start3A_256] : memref<256x128xf32, #tpu.memory_space<vmem>> -> memref<128x128xf32, #tpu.memory_space<vmem>>
      %dma_start3A_258 = arith.constant 0 : i32
      %dma_start3A_259 = tpu.memref_slice %arg16[%run_scoped3A_108, %dma_start3A_258] : memref<8x128xi32, #tpu.memory_space<vmem>> -> memref<1x128xi32, #tpu.memory_space<vmem>>
      %dma_start3A_260 = tpu.memref_squeeze %dma_start3A_259 : memref<1x128xi32, #tpu.memory_space<vmem>> -> memref<128xi32, #tpu.memory_space<vmem>>
      %dma_start3A_261 = arith.constant 0 : i32
      %dma_start3A_262 = arith.constant 0 : i32
      %dma_start3A_263 = tpu.memref_slice %arg19[%dma_start3A_261, %dma_start3A_262] : memref<1024x128xf32, #tpu.memory_space<vmem_shared>> -> memref<1024x128xf32, #tpu.memory_space<vmem_shared>>
      tpu.enqueue_indirect_dma source(%dma_start3A_257 : memref<128x128xf32, #tpu.memory_space<vmem>>) target(%dma_start3A_263 : memref<1024x128xf32, #tpu.memory_space<vmem_shared>>) offsets(%dma_start3A_260 : memref<128xi32, #tpu.memory_space<vmem>>) semaphore(%run_scoped3A_254 : memref<!tpu.dma_semaphore, #tpu.memory_space<semaphore_mem>>) {add = true}
      %dma_wait3A_264 = arith.constant 0 : i32
      %dma_wait3A_265 = arith.constant 0 : i32
      %dma_wait3A_266 = tpu.memref_slice %arg14[%dma_wait3A_264, %dma_wait3A_265] : memref<256x128xf32, #tpu.memory_space<vmem>> -> memref<128x128xf32, #tpu.memory_space<vmem>>
      %dma_wait3A_267 = arith.constant 0 : i32
      %dma_wait3A_268 = tpu.memref_slice %arg16[%run_scoped3A_108, %dma_wait3A_267] : memref<8x128xi32, #tpu.memory_space<vmem>> -> memref<1x128xi32, #tpu.memory_space<vmem>>
      %dma_wait3A_269 = tpu.memref_squeeze %dma_wait3A_268 : memref<1x128xi32, #tpu.memory_space<vmem>> -> memref<128xi32, #tpu.memory_space<vmem>>
      %dma_wait3A_270 = arith.constant 0 : i32
      %dma_wait3A_271 = arith.constant 0 : i32
      %dma_wait3A_272 = tpu.memref_slice %arg19[%dma_wait3A_270, %dma_wait3A_271] : memref<1024x128xf32, #tpu.memory_space<vmem_shared>> -> memref<1024x128xf32, #tpu.memory_space<vmem_shared>>
      tpu.wait_indirect_dma semaphore(%run_scoped3A_254 : memref<!tpu.dma_semaphore, #tpu.memory_space<semaphore_mem>>) src(%dma_wait3A_266 : memref<128x128xf32, #tpu.memory_space<vmem>>) dst(%dma_wait3A_272 : memref<1024x128xf32, #tpu.memory_space<vmem_shared>>)
      tpu.yield
    }) : () -> ()
    %dma_start3A_109 = arith.constant 3 : i32
    %dma_start3A_110 = arith.constant 0 : i32
    %dma_start3A_111 = tpu.memref_slice %arg16[%dma_start3A_109, %dma_start3A_110] : memref<8x128xi32, #tpu.memory_space<vmem>> -> memref<1x128xi32, #tpu.memory_space<vmem>>
    %dma_start3A_112 = tpu.memref_squeeze %dma_start3A_111 : memref<1x128xi32, #tpu.memory_space<vmem>> -> memref<128xi32, #tpu.memory_space<vmem>>
    %dma_start3A_113 = arith.constant 0 : i32
    %dma_start3A_114 = tpu.memref_slice %arg21[%dma_start3A_113] : memref<1024xf32, #tpu.memory_space<vmem_shared>> -> memref<1024xf32, #tpu.memory_space<vmem_shared>>
    tpu.enqueue_indirect_dma source(%arg17 : memref<128xf32, #tpu.memory_space<vmem>>) target(%dma_start3A_114 : memref<1024xf32, #tpu.memory_space<vmem_shared>>) offsets(%dma_start3A_112 : memref<128xi32, #tpu.memory_space<vmem>>) semaphore(%arg24 : memref<!tpu.dma_semaphore, #tpu.memory_space<semaphore_mem>>) {add = true}
    %run_scoped3A_115 = arith.constant 3 : i32
    "tpu.region"() ({
      %run_scoped3A_254 = tpu.sem_alloc : memref<!tpu.dma_semaphore, #tpu.memory_space<semaphore_mem>>
      %dma_start3A_255 = arith.constant 128 : i32
      %dma_start3A_256 = arith.constant 0 : i32
      %dma_start3A_257 = tpu.memref_slice %arg14[%dma_start3A_255, %dma_start3A_256] : memref<256x128xf32, #tpu.memory_space<vmem>> -> memref<128x128xf32, #tpu.memory_space<vmem>>
      %dma_start3A_258 = arith.constant 0 : i32
      %dma_start3A_259 = tpu.memref_slice %arg16[%run_scoped3A_115, %dma_start3A_258] : memref<8x128xi32, #tpu.memory_space<vmem>> -> memref<1x128xi32, #tpu.memory_space<vmem>>
      %dma_start3A_260 = tpu.memref_squeeze %dma_start3A_259 : memref<1x128xi32, #tpu.memory_space<vmem>> -> memref<128xi32, #tpu.memory_space<vmem>>
      %dma_start3A_261 = arith.constant 0 : i32
      %dma_start3A_262 = arith.constant 0 : i32
      %dma_start3A_263 = tpu.memref_slice %arg19[%dma_start3A_261, %dma_start3A_262] : memref<1024x128xf32, #tpu.memory_space<vmem_shared>> -> memref<1024x128xf32, #tpu.memory_space<vmem_shared>>
      tpu.enqueue_indirect_dma source(%dma_start3A_257 : memref<128x128xf32, #tpu.memory_space<vmem>>) target(%dma_start3A_263 : memref<1024x128xf32, #tpu.memory_space<vmem_shared>>) offsets(%dma_start3A_260 : memref<128xi32, #tpu.memory_space<vmem>>) semaphore(%run_scoped3A_254 : memref<!tpu.dma_semaphore, #tpu.memory_space<semaphore_mem>>) {add = true}
      %dma_wait3A_264 = arith.constant 128 : i32
      %dma_wait3A_265 = arith.constant 0 : i32
      %dma_wait3A_266 = tpu.memref_slice %arg14[%dma_wait3A_264, %dma_wait3A_265] : memref<256x128xf32, #tpu.memory_space<vmem>> -> memref<128x128xf32, #tpu.memory_space<vmem>>
      %dma_wait3A_267 = arith.constant 0 : i32
      %dma_wait3A_268 = tpu.memref_slice %arg16[%run_scoped3A_115, %dma_wait3A_267] : memref<8x128xi32, #tpu.memory_space<vmem>> -> memref<1x128xi32, #tpu.memory_space<vmem>>
      %dma_wait3A_269 = tpu.memref_squeeze %dma_wait3A_268 : memref<1x128xi32, #tpu.memory_space<vmem>> -> memref<128xi32, #tpu.memory_space<vmem>>
      %dma_wait3A_270 = arith.constant 0 : i32
      %dma_wait3A_271 = arith.constant 0 : i32
      %dma_wait3A_272 = tpu.memref_slice %arg19[%dma_wait3A_270, %dma_wait3A_271] : memref<1024x128xf32, #tpu.memory_space<vmem_shared>> -> memref<1024x128xf32, #tpu.memory_space<vmem_shared>>
      tpu.wait_indirect_dma semaphore(%run_scoped3A_254 : memref<!tpu.dma_semaphore, #tpu.memory_space<semaphore_mem>>) src(%dma_wait3A_266 : memref<128x128xf32, #tpu.memory_space<vmem>>) dst(%dma_wait3A_272 : memref<1024x128xf32, #tpu.memory_space<vmem_shared>>)
      tpu.yield
    }) : () -> ()
    %dma_wait3A_116 = arith.constant 0 : i32
    %dma_wait3A_117 = arith.constant 0 : i32
    %dma_wait3A_118 = tpu.memref_slice %arg16[%dma_wait3A_116, %dma_wait3A_117] : memref<8x128xi32, #tpu.memory_space<vmem>> -> memref<1x128xi32, #tpu.memory_space<vmem>>
    %dma_wait3A_119 = tpu.memref_squeeze %dma_wait3A_118 : memref<1x128xi32, #tpu.memory_space<vmem>> -> memref<128xi32, #tpu.memory_space<vmem>>
    %dma_wait3A_120 = arith.constant 0 : i32
    %dma_wait3A_121 = tpu.memref_slice %arg21[%dma_wait3A_120] : memref<1024xf32, #tpu.memory_space<vmem_shared>> -> memref<1024xf32, #tpu.memory_space<vmem_shared>>
    tpu.wait_indirect_dma semaphore(%arg24 : memref<!tpu.dma_semaphore, #tpu.memory_space<semaphore_mem>>) src(%arg17 : memref<128xf32, #tpu.memory_space<vmem>>) dst(%dma_wait3A_121 : memref<1024xf32, #tpu.memory_space<vmem_shared>>)
    %dma_wait3A_122 = arith.constant 1 : i32
    %dma_wait3A_123 = arith.constant 0 : i32
    %dma_wait3A_124 = tpu.memref_slice %arg16[%dma_wait3A_122, %dma_wait3A_123] : memref<8x128xi32, #tpu.memory_space<vmem>> -> memref<1x128xi32, #tpu.memory_space<vmem>>
    %dma_wait3A_125 = tpu.memref_squeeze %dma_wait3A_124 : memref<1x128xi32, #tpu.memory_space<vmem>> -> memref<128xi32, #tpu.memory_space<vmem>>
    %dma_wait3A_126 = arith.constant 0 : i32
    %dma_wait3A_127 = tpu.memref_slice %arg21[%dma_wait3A_126] : memref<1024xf32, #tpu.memory_space<vmem_shared>> -> memref<1024xf32, #tpu.memory_space<vmem_shared>>
    tpu.wait_indirect_dma semaphore(%arg24 : memref<!tpu.dma_semaphore, #tpu.memory_space<semaphore_mem>>) src(%arg17 : memref<128xf32, #tpu.memory_space<vmem>>) dst(%dma_wait3A_127 : memref<1024xf32, #tpu.memory_space<vmem_shared>>)
    %dma_wait3A_128 = arith.constant 2 : i32
    %dma_wait3A_129 = arith.constant 0 : i32
    %dma_wait3A_130 = tpu.memref_slice %arg16[%dma_wait3A_128, %dma_wait3A_129] : memref<8x128xi32, #tpu.memory_space<vmem>> -> memref<1x128xi32, #tpu.memory_space<vmem>>
    %dma_wait3A_131 = tpu.memref_squeeze %dma_wait3A_130 : memref<1x128xi32, #tpu.memory_space<vmem>> -> memref<128xi32, #tpu.memory_space<vmem>>
    %dma_wait3A_132 = arith.constant 0 : i32
    %dma_wait3A_133 = tpu.memref_slice %arg21[%dma_wait3A_132] : memref<1024xf32, #tpu.memory_space<vmem_shared>> -> memref<1024xf32, #tpu.memory_space<vmem_shared>>
    tpu.wait_indirect_dma semaphore(%arg24 : memref<!tpu.dma_semaphore, #tpu.memory_space<semaphore_mem>>) src(%arg17 : memref<128xf32, #tpu.memory_space<vmem>>) dst(%dma_wait3A_133 : memref<1024xf32, #tpu.memory_space<vmem_shared>>)
    %dma_wait3A_134 = arith.constant 3 : i32
    %dma_wait3A_135 = arith.constant 0 : i32
    %dma_wait3A_136 = tpu.memref_slice %arg16[%dma_wait3A_134, %dma_wait3A_135] : memref<8x128xi32, #tpu.memory_space<vmem>> -> memref<1x128xi32, #tpu.memory_space<vmem>>
    %dma_wait3A_137 = tpu.memref_squeeze %dma_wait3A_136 : memref<1x128xi32, #tpu.memory_space<vmem>> -> memref<128xi32, #tpu.memory_space<vmem>>
    %dma_wait3A_138 = arith.constant 0 : i32
    %dma_wait3A_139 = tpu.memref_slice %arg21[%dma_wait3A_138] : memref<1024xf32, #tpu.memory_space<vmem_shared>> -> memref<1024xf32, #tpu.memory_space<vmem_shared>>
    tpu.wait_indirect_dma semaphore(%arg24 : memref<!tpu.dma_semaphore, #tpu.memory_space<semaphore_mem>>) src(%arg17 : memref<128xf32, #tpu.memory_space<vmem>>) dst(%dma_wait3A_139 : memref<1024xf32, #tpu.memory_space<vmem_shared>>)
    %dma_wait3A_140 = arith.constant 0 : i32
    %dma_wait3A_141 = tpu.memref_slice %arg20[%mul3A_72, %dma_wait3A_140] : memref<1024x128xf32, #tpu.memory_space<vmem_shared>> -> memref<64x128xf32, #tpu.memory_space<vmem_shared>>
    tpu.wait_dma2 semaphore(%arg23 : memref<!tpu.dma_semaphore, #tpu.memory_space<semaphore_mem>>) src(%arg6 : memref<64x128xf32, #tpu.memory_space<hbm>>) dst(%dma_wait3A_141 : memref<64x128xf32, #tpu.memory_space<vmem_shared>>)
    %mul3A_142 = arith.constant 64 : i32
    %mul3A_143 = arith.muli %arg1, %mul3A_142 : i32
    "tpu.region"() ({
      %run_scoped3A_254 = tpu.sem_alloc : memref<!tpu.dma_semaphore, #tpu.memory_space<semaphore_mem>>
      %dma_start3A_255 = tpu.memref_slice %arg22[%mul3A_143] : memref<1024xf32, #tpu.memory_space<vmem_shared>> -> memref<64xf32, #tpu.memory_space<vmem_shared>>
      %dma_start3A_256 = tpu.memref_slice %arg22[%mul3A_143] : memref<1024xf32, #tpu.memory_space<vmem_shared>> -> memref<64xf32, #tpu.memory_space<vmem_shared>>
      tpu.enqueue_dma source(%arg18 : memref<64xf32, #tpu.memory_space<vmem>>) target(%dma_start3A_256 : memref<64xf32, #tpu.memory_space<vmem_shared>>) target_semaphore(%run_scoped3A_254 : memref<!tpu.dma_semaphore, #tpu.memory_space<semaphore_mem>>)
      %dma_wait3A_257 = tpu.memref_slice %arg22[%mul3A_143] : memref<1024xf32, #tpu.memory_space<vmem_shared>> -> memref<64xf32, #tpu.memory_space<vmem_shared>>
      %dma_wait3A_258 = tpu.memref_slice %arg22[%mul3A_143] : memref<1024xf32, #tpu.memory_space<vmem_shared>> -> memref<64xf32, #tpu.memory_space<vmem_shared>>
      tpu.wait_dma2 semaphore(%run_scoped3A_254 : memref<!tpu.dma_semaphore, #tpu.memory_space<semaphore_mem>>) src(%arg18 : memref<64xf32, #tpu.memory_space<vmem>>) dst(%dma_wait3A_258 : memref<64xf32, #tpu.memory_space<vmem_shared>>)
      tpu.yield
    }) : () -> ()
    %barrier3A_144 = arith.constant 0 : index
    tpu.barrier barrier_id(%barrier3A_144)
    %mul3A_145 = arith.constant 64 : i32
    %mul3A_146 = arith.muli %arg1, %mul3A_145 : i32
    %mul3A_147 = arith.constant 64 : i32
    %mul3A_148 = arith.muli %arg1, %mul3A_147 : i32
    %dma_start3A_149 = arith.constant 0 : i32
    %dma_start3A_150 = arith.constant 0 : i32
    %dma_start3A_151 = tpu.memref_slice %arg9[%arg0, %dma_start3A_149, %dma_start3A_150] : memref<2x1024x128xf32, #tpu.memory_space<hbm>> -> memref<1x1024x128xf32, #tpu.memory_space<hbm>>
    %dma_start3A_152 = tpu.memref_squeeze %dma_start3A_151 : memref<1x1024x128xf32, #tpu.memory_space<hbm>> -> memref<1024x128xf32, #tpu.memory_space<hbm>>
    %dma_start3A_153 = arith.constant 0 : i32
    %dma_start3A_154 = tpu.memref_slice %dma_start3A_152[%mul3A_148, %dma_start3A_153] : memref<1024x128xf32, #tpu.memory_space<hbm>> -> memref<64x128xf32, #tpu.memory_space<hbm>>
    %dma_start3A_155 = arith.constant 0 : i32
    %dma_start3A_156 = tpu.memref_slice %arg19[%mul3A_146, %dma_start3A_155] : memref<1024x128xf32, #tpu.memory_space<vmem_shared>> -> memref<64x128xf32, #tpu.memory_space<vmem_shared>>
    tpu.enqueue_dma source(%dma_start3A_156 : memref<64x128xf32, #tpu.memory_space<vmem_shared>>) target(%dma_start3A_154 : memref<64x128xf32, #tpu.memory_space<hbm>>) target_semaphore(%arg23 : memref<!tpu.dma_semaphore, #tpu.memory_space<semaphore_mem>>)
    %mul3A_157 = arith.constant 64 : i32
    %mul3A_158 = arith.muli %arg1, %mul3A_157 : i32
    "tpu.region"() ({
      %run_scoped3A_254 = tpu.sem_alloc : memref<!tpu.dma_semaphore, #tpu.memory_space<semaphore_mem>>
      %dma_start3A_255 = tpu.memref_slice %arg21[%mul3A_158] : memref<1024xf32, #tpu.memory_space<vmem_shared>> -> memref<64xf32, #tpu.memory_space<vmem_shared>>
      %dma_start3A_256 = tpu.memref_slice %arg21[%mul3A_158] : memref<1024xf32, #tpu.memory_space<vmem_shared>> -> memref<64xf32, #tpu.memory_space<vmem_shared>>
      tpu.enqueue_dma source(%dma_start3A_256 : memref<64xf32, #tpu.memory_space<vmem_shared>>) target(%arg18 : memref<64xf32, #tpu.memory_space<vmem>>) target_semaphore(%run_scoped3A_254 : memref<!tpu.dma_semaphore, #tpu.memory_space<semaphore_mem>>)
      %dma_wait3A_257 = tpu.memref_slice %arg21[%mul3A_158] : memref<1024xf32, #tpu.memory_space<vmem_shared>> -> memref<64xf32, #tpu.memory_space<vmem_shared>>
      %dma_wait3A_258 = tpu.memref_slice %arg21[%mul3A_158] : memref<1024xf32, #tpu.memory_space<vmem_shared>> -> memref<64xf32, #tpu.memory_space<vmem_shared>>
      tpu.wait_dma2 semaphore(%run_scoped3A_254 : memref<!tpu.dma_semaphore, #tpu.memory_space<semaphore_mem>>) src(%dma_wait3A_258 : memref<64xf32, #tpu.memory_space<vmem_shared>>) dst(%arg18 : memref<64xf32, #tpu.memory_space<vmem>>)
      tpu.yield
    }) : () -> ()
    %mul3A_159 = arith.constant 64 : i32
    %mul3A_160 = arith.muli %arg1, %mul3A_159 : i32
    "tpu.region"() ({
      %run_scoped3A_254 = tpu.sem_alloc : memref<!tpu.dma_semaphore, #tpu.memory_space<semaphore_mem>>
      %dma_start3A_255 = arith.constant 0 : i32
      %dma_start3A_256 = tpu.memref_slice %arg10[%arg0, %dma_start3A_255] : memref<2x1024xf32, #tpu.memory_space<hbm>> -> memref<1x1024xf32, #tpu.memory_space<hbm>>
      %dma_start3A_257 = tpu.memref_squeeze %dma_start3A_256 : memref<1x1024xf32, #tpu.memory_space<hbm>> -> memref<1024xf32, #tpu.memory_space<hbm>>
      %dma_start3A_258 = tpu.memref_slice %dma_start3A_257[%mul3A_160] : memref<1024xf32, #tpu.memory_space<hbm>> -> memref<64xf32, #tpu.memory_space<hbm>>
      %dma_start3A_259 = arith.constant 0 : i32
      %dma_start3A_260 = tpu.memref_slice %arg10[%arg0, %dma_start3A_259] : memref<2x1024xf32, #tpu.memory_space<hbm>> -> memref<1x1024xf32, #tpu.memory_space<hbm>>
      %dma_start3A_261 = tpu.memref_squeeze %dma_start3A_260 : memref<1x1024xf32, #tpu.memory_space<hbm>> -> memref<1024xf32, #tpu.memory_space<hbm>>
      %dma_start3A_262 = tpu.memref_slice %dma_start3A_261[%mul3A_160] : memref<1024xf32, #tpu.memory_space<hbm>> -> memref<64xf32, #tpu.memory_space<hbm>>
      tpu.enqueue_dma source(%arg18 : memref<64xf32, #tpu.memory_space<vmem>>) target(%dma_start3A_262 : memref<64xf32, #tpu.memory_space<hbm>>) target_semaphore(%run_scoped3A_254 : memref<!tpu.dma_semaphore, #tpu.memory_space<semaphore_mem>>)
      %dma_wait3A_263 = arith.constant 0 : i32
      %dma_wait3A_264 = tpu.memref_slice %arg10[%arg0, %dma_wait3A_263] : memref<2x1024xf32, #tpu.memory_space<hbm>> -> memref<1x1024xf32, #tpu.memory_space<hbm>>
      %dma_wait3A_265 = tpu.memref_squeeze %dma_wait3A_264 : memref<1x1024xf32, #tpu.memory_space<hbm>> -> memref<1024xf32, #tpu.memory_space<hbm>>
      %dma_wait3A_266 = tpu.memref_slice %dma_wait3A_265[%mul3A_160] : memref<1024xf32, #tpu.memory_space<hbm>> -> memref<64xf32, #tpu.memory_space<hbm>>
      %dma_wait3A_267 = arith.constant 0 : i32
      %dma_wait3A_268 = tpu.memref_slice %arg10[%arg0, %dma_wait3A_267] : memref<2x1024xf32, #tpu.memory_space<hbm>> -> memref<1x1024xf32, #tpu.memory_space<hbm>>
      %dma_wait3A_269 = tpu.memref_squeeze %dma_wait3A_268 : memref<1x1024xf32, #tpu.memory_space<hbm>> -> memref<1024xf32, #tpu.memory_space<hbm>>
      %dma_wait3A_270 = tpu.memref_slice %dma_wait3A_269[%mul3A_160] : memref<1024xf32, #tpu.memory_space<hbm>> -> memref<64xf32, #tpu.memory_space<hbm>>
      tpu.wait_dma2 semaphore(%run_scoped3A_254 : memref<!tpu.dma_semaphore, #tpu.memory_space<semaphore_mem>>) src(%arg18 : memref<64xf32, #tpu.memory_space<vmem>>) dst(%dma_wait3A_270 : memref<64xf32, #tpu.memory_space<hbm>>)
      tpu.yield
    }) : () -> ()
    %dma_wait3A_161 = arith.constant 0 : i32
    %dma_wait3A_162 = tpu.memref_slice %arg4[%add3A_43, %dma_wait3A_161] : memref<16384x128xf32, #tpu.memory_space<hbm>> -> memref<256x128xf32, #tpu.memory_space<hbm>>
    %dma_wait3A_163 = arith.constant 0 : i32
    %dma_wait3A_164 = tpu.memref_slice %arg4[%add3A_43, %dma_wait3A_163] : memref<16384x128xf32, #tpu.memory_space<hbm>> -> memref<256x128xf32, #tpu.memory_space<hbm>>
    tpu.wait_dma2 semaphore(%arg27 : memref<!tpu.dma_semaphore, #tpu.memory_space<semaphore_mem>>) src(%dma_wait3A_164 : memref<256x128xf32, #tpu.memory_space<hbm>>) dst(%arg15 : memref<256x128xf32, #tpu.memory_space<vmem>>)
    %dma_start3A_165 = arith.constant 4 : i32
    %dma_start3A_166 = arith.constant 0 : i32
    %dma_start3A_167 = tpu.memref_slice %arg16[%dma_start3A_165, %dma_start3A_166] : memref<8x128xi32, #tpu.memory_space<vmem>> -> memref<1x128xi32, #tpu.memory_space<vmem>>
    %dma_start3A_168 = tpu.memref_squeeze %dma_start3A_167 : memref<1x128xi32, #tpu.memory_space<vmem>> -> memref<128xi32, #tpu.memory_space<vmem>>
    %dma_start3A_169 = arith.constant 0 : i32
    %dma_start3A_170 = tpu.memref_slice %arg22[%dma_start3A_169] : memref<1024xf32, #tpu.memory_space<vmem_shared>> -> memref<1024xf32, #tpu.memory_space<vmem_shared>>
    tpu.enqueue_indirect_dma source(%arg17 : memref<128xf32, #tpu.memory_space<vmem>>) target(%dma_start3A_170 : memref<1024xf32, #tpu.memory_space<vmem_shared>>) offsets(%dma_start3A_168 : memref<128xi32, #tpu.memory_space<vmem>>) semaphore(%arg24 : memref<!tpu.dma_semaphore, #tpu.memory_space<semaphore_mem>>) {add = true}
    %run_scoped3A_171 = arith.constant 4 : i32
    "tpu.region"() ({
      %run_scoped3A_254 = tpu.sem_alloc : memref<!tpu.dma_semaphore, #tpu.memory_space<semaphore_mem>>
      %dma_start3A_255 = arith.constant 0 : i32
      %dma_start3A_256 = arith.constant 0 : i32
      %dma_start3A_257 = tpu.memref_slice %arg15[%dma_start3A_255, %dma_start3A_256] : memref<256x128xf32, #tpu.memory_space<vmem>> -> memref<128x128xf32, #tpu.memory_space<vmem>>
      %dma_start3A_258 = arith.constant 0 : i32
      %dma_start3A_259 = tpu.memref_slice %arg16[%run_scoped3A_171, %dma_start3A_258] : memref<8x128xi32, #tpu.memory_space<vmem>> -> memref<1x128xi32, #tpu.memory_space<vmem>>
      %dma_start3A_260 = tpu.memref_squeeze %dma_start3A_259 : memref<1x128xi32, #tpu.memory_space<vmem>> -> memref<128xi32, #tpu.memory_space<vmem>>
      %dma_start3A_261 = arith.constant 0 : i32
      %dma_start3A_262 = arith.constant 0 : i32
      %dma_start3A_263 = tpu.memref_slice %arg20[%dma_start3A_261, %dma_start3A_262] : memref<1024x128xf32, #tpu.memory_space<vmem_shared>> -> memref<1024x128xf32, #tpu.memory_space<vmem_shared>>
      tpu.enqueue_indirect_dma source(%dma_start3A_257 : memref<128x128xf32, #tpu.memory_space<vmem>>) target(%dma_start3A_263 : memref<1024x128xf32, #tpu.memory_space<vmem_shared>>) offsets(%dma_start3A_260 : memref<128xi32, #tpu.memory_space<vmem>>) semaphore(%run_scoped3A_254 : memref<!tpu.dma_semaphore, #tpu.memory_space<semaphore_mem>>) {add = true}
      %dma_wait3A_264 = arith.constant 0 : i32
      %dma_wait3A_265 = arith.constant 0 : i32
      %dma_wait3A_266 = tpu.memref_slice %arg15[%dma_wait3A_264, %dma_wait3A_265] : memref<256x128xf32, #tpu.memory_space<vmem>> -> memref<128x128xf32, #tpu.memory_space<vmem>>
      %dma_wait3A_267 = arith.constant 0 : i32
      %dma_wait3A_268 = tpu.memref_slice %arg16[%run_scoped3A_171, %dma_wait3A_267] : memref<8x128xi32, #tpu.memory_space<vmem>> -> memref<1x128xi32, #tpu.memory_space<vmem>>
      %dma_wait3A_269 = tpu.memref_squeeze %dma_wait3A_268 : memref<1x128xi32, #tpu.memory_space<vmem>> -> memref<128xi32, #tpu.memory_space<vmem>>
      %dma_wait3A_270 = arith.constant 0 : i32
      %dma_wait3A_271 = arith.constant 0 : i32
      %dma_wait3A_272 = tpu.memref_slice %arg20[%dma_wait3A_270, %dma_wait3A_271] : memref<1024x128xf32, #tpu.memory_space<vmem_shared>> -> memref<1024x128xf32, #tpu.memory_space<vmem_shared>>
      tpu.wait_indirect_dma semaphore(%run_scoped3A_254 : memref<!tpu.dma_semaphore, #tpu.memory_space<semaphore_mem>>) src(%dma_wait3A_266 : memref<128x128xf32, #tpu.memory_space<vmem>>) dst(%dma_wait3A_272 : memref<1024x128xf32, #tpu.memory_space<vmem_shared>>)
      tpu.yield
    }) : () -> ()
    %dma_start3A_172 = arith.constant 5 : i32
    %dma_start3A_173 = arith.constant 0 : i32
    %dma_start3A_174 = tpu.memref_slice %arg16[%dma_start3A_172, %dma_start3A_173] : memref<8x128xi32, #tpu.memory_space<vmem>> -> memref<1x128xi32, #tpu.memory_space<vmem>>
    %dma_start3A_175 = tpu.memref_squeeze %dma_start3A_174 : memref<1x128xi32, #tpu.memory_space<vmem>> -> memref<128xi32, #tpu.memory_space<vmem>>
    %dma_start3A_176 = arith.constant 0 : i32
    %dma_start3A_177 = tpu.memref_slice %arg22[%dma_start3A_176] : memref<1024xf32, #tpu.memory_space<vmem_shared>> -> memref<1024xf32, #tpu.memory_space<vmem_shared>>
    tpu.enqueue_indirect_dma source(%arg17 : memref<128xf32, #tpu.memory_space<vmem>>) target(%dma_start3A_177 : memref<1024xf32, #tpu.memory_space<vmem_shared>>) offsets(%dma_start3A_175 : memref<128xi32, #tpu.memory_space<vmem>>) semaphore(%arg24 : memref<!tpu.dma_semaphore, #tpu.memory_space<semaphore_mem>>) {add = true}
    %run_scoped3A_178 = arith.constant 5 : i32
    "tpu.region"() ({
      %run_scoped3A_254 = tpu.sem_alloc : memref<!tpu.dma_semaphore, #tpu.memory_space<semaphore_mem>>
      %dma_start3A_255 = arith.constant 128 : i32
      %dma_start3A_256 = arith.constant 0 : i32
      %dma_start3A_257 = tpu.memref_slice %arg15[%dma_start3A_255, %dma_start3A_256] : memref<256x128xf32, #tpu.memory_space<vmem>> -> memref<128x128xf32, #tpu.memory_space<vmem>>
      %dma_start3A_258 = arith.constant 0 : i32
      %dma_start3A_259 = tpu.memref_slice %arg16[%run_scoped3A_178, %dma_start3A_258] : memref<8x128xi32, #tpu.memory_space<vmem>> -> memref<1x128xi32, #tpu.memory_space<vmem>>
      %dma_start3A_260 = tpu.memref_squeeze %dma_start3A_259 : memref<1x128xi32, #tpu.memory_space<vmem>> -> memref<128xi32, #tpu.memory_space<vmem>>
      %dma_start3A_261 = arith.constant 0 : i32
      %dma_start3A_262 = arith.constant 0 : i32
      %dma_start3A_263 = tpu.memref_slice %arg20[%dma_start3A_261, %dma_start3A_262] : memref<1024x128xf32, #tpu.memory_space<vmem_shared>> -> memref<1024x128xf32, #tpu.memory_space<vmem_shared>>
      tpu.enqueue_indirect_dma source(%dma_start3A_257 : memref<128x128xf32, #tpu.memory_space<vmem>>) target(%dma_start3A_263 : memref<1024x128xf32, #tpu.memory_space<vmem_shared>>) offsets(%dma_start3A_260 : memref<128xi32, #tpu.memory_space<vmem>>) semaphore(%run_scoped3A_254 : memref<!tpu.dma_semaphore, #tpu.memory_space<semaphore_mem>>) {add = true}
      %dma_wait3A_264 = arith.constant 128 : i32
      %dma_wait3A_265 = arith.constant 0 : i32
      %dma_wait3A_266 = tpu.memref_slice %arg15[%dma_wait3A_264, %dma_wait3A_265] : memref<256x128xf32, #tpu.memory_space<vmem>> -> memref<128x128xf32, #tpu.memory_space<vmem>>
      %dma_wait3A_267 = arith.constant 0 : i32
      %dma_wait3A_268 = tpu.memref_slice %arg16[%run_scoped3A_178, %dma_wait3A_267] : memref<8x128xi32, #tpu.memory_space<vmem>> -> memref<1x128xi32, #tpu.memory_space<vmem>>
      %dma_wait3A_269 = tpu.memref_squeeze %dma_wait3A_268 : memref<1x128xi32, #tpu.memory_space<vmem>> -> memref<128xi32, #tpu.memory_space<vmem>>
      %dma_wait3A_270 = arith.constant 0 : i32
      %dma_wait3A_271 = arith.constant 0 : i32
      %dma_wait3A_272 = tpu.memref_slice %arg20[%dma_wait3A_270, %dma_wait3A_271] : memref<1024x128xf32, #tpu.memory_space<vmem_shared>> -> memref<1024x128xf32, #tpu.memory_space<vmem_shared>>
      tpu.wait_indirect_dma semaphore(%run_scoped3A_254 : memref<!tpu.dma_semaphore, #tpu.memory_space<semaphore_mem>>) src(%dma_wait3A_266 : memref<128x128xf32, #tpu.memory_space<vmem>>) dst(%dma_wait3A_272 : memref<1024x128xf32, #tpu.memory_space<vmem_shared>>)
      tpu.yield
    }) : () -> ()
    %dma_wait3A_179 = arith.constant 0 : i32
    %dma_wait3A_180 = tpu.memref_slice %arg4[%add3A_93, %dma_wait3A_179] : memref<16384x128xf32, #tpu.memory_space<hbm>> -> memref<256x128xf32, #tpu.memory_space<hbm>>
    %dma_wait3A_181 = arith.constant 0 : i32
    %dma_wait3A_182 = tpu.memref_slice %arg4[%add3A_93, %dma_wait3A_181] : memref<16384x128xf32, #tpu.memory_space<hbm>> -> memref<256x128xf32, #tpu.memory_space<hbm>>
    tpu.wait_dma2 semaphore(%arg25 : memref<!tpu.dma_semaphore, #tpu.memory_space<semaphore_mem>>) src(%dma_wait3A_182 : memref<256x128xf32, #tpu.memory_space<hbm>>) dst(%arg13 : memref<256x128xf32, #tpu.memory_space<vmem>>)
    %dma_start3A_183 = arith.constant 6 : i32
    %dma_start3A_184 = arith.constant 0 : i32
    %dma_start3A_185 = tpu.memref_slice %arg16[%dma_start3A_183, %dma_start3A_184] : memref<8x128xi32, #tpu.memory_space<vmem>> -> memref<1x128xi32, #tpu.memory_space<vmem>>
    %dma_start3A_186 = tpu.memref_squeeze %dma_start3A_185 : memref<1x128xi32, #tpu.memory_space<vmem>> -> memref<128xi32, #tpu.memory_space<vmem>>
    %dma_start3A_187 = arith.constant 0 : i32
    %dma_start3A_188 = tpu.memref_slice %arg22[%dma_start3A_187] : memref<1024xf32, #tpu.memory_space<vmem_shared>> -> memref<1024xf32, #tpu.memory_space<vmem_shared>>
    tpu.enqueue_indirect_dma source(%arg17 : memref<128xf32, #tpu.memory_space<vmem>>) target(%dma_start3A_188 : memref<1024xf32, #tpu.memory_space<vmem_shared>>) offsets(%dma_start3A_186 : memref<128xi32, #tpu.memory_space<vmem>>) semaphore(%arg24 : memref<!tpu.dma_semaphore, #tpu.memory_space<semaphore_mem>>) {add = true}
    %run_scoped3A_189 = arith.constant 6 : i32
    "tpu.region"() ({
      %run_scoped3A_254 = tpu.sem_alloc : memref<!tpu.dma_semaphore, #tpu.memory_space<semaphore_mem>>
      %dma_start3A_255 = arith.constant 0 : i32
      %dma_start3A_256 = arith.constant 0 : i32
      %dma_start3A_257 = tpu.memref_slice %arg13[%dma_start3A_255, %dma_start3A_256] : memref<256x128xf32, #tpu.memory_space<vmem>> -> memref<128x128xf32, #tpu.memory_space<vmem>>
      %dma_start3A_258 = arith.constant 0 : i32
      %dma_start3A_259 = tpu.memref_slice %arg16[%run_scoped3A_189, %dma_start3A_258] : memref<8x128xi32, #tpu.memory_space<vmem>> -> memref<1x128xi32, #tpu.memory_space<vmem>>
      %dma_start3A_260 = tpu.memref_squeeze %dma_start3A_259 : memref<1x128xi32, #tpu.memory_space<vmem>> -> memref<128xi32, #tpu.memory_space<vmem>>
      %dma_start3A_261 = arith.constant 0 : i32
      %dma_start3A_262 = arith.constant 0 : i32
      %dma_start3A_263 = tpu.memref_slice %arg20[%dma_start3A_261, %dma_start3A_262] : memref<1024x128xf32, #tpu.memory_space<vmem_shared>> -> memref<1024x128xf32, #tpu.memory_space<vmem_shared>>
      tpu.enqueue_indirect_dma source(%dma_start3A_257 : memref<128x128xf32, #tpu.memory_space<vmem>>) target(%dma_start3A_263 : memref<1024x128xf32, #tpu.memory_space<vmem_shared>>) offsets(%dma_start3A_260 : memref<128xi32, #tpu.memory_space<vmem>>) semaphore(%run_scoped3A_254 : memref<!tpu.dma_semaphore, #tpu.memory_space<semaphore_mem>>) {add = true}
      %dma_wait3A_264 = arith.constant 0 : i32
      %dma_wait3A_265 = arith.constant 0 : i32
      %dma_wait3A_266 = tpu.memref_slice %arg13[%dma_wait3A_264, %dma_wait3A_265] : memref<256x128xf32, #tpu.memory_space<vmem>> -> memref<128x128xf32, #tpu.memory_space<vmem>>
      %dma_wait3A_267 = arith.constant 0 : i32
      %dma_wait3A_268 = tpu.memref_slice %arg16[%run_scoped3A_189, %dma_wait3A_267] : memref<8x128xi32, #tpu.memory_space<vmem>> -> memref<1x128xi32, #tpu.memory_space<vmem>>
      %dma_wait3A_269 = tpu.memref_squeeze %dma_wait3A_268 : memref<1x128xi32, #tpu.memory_space<vmem>> -> memref<128xi32, #tpu.memory_space<vmem>>
      %dma_wait3A_270 = arith.constant 0 : i32
      %dma_wait3A_271 = arith.constant 0 : i32
      %dma_wait3A_272 = tpu.memref_slice %arg20[%dma_wait3A_270, %dma_wait3A_271] : memref<1024x128xf32, #tpu.memory_space<vmem_shared>> -> memref<1024x128xf32, #tpu.memory_space<vmem_shared>>
      tpu.wait_indirect_dma semaphore(%run_scoped3A_254 : memref<!tpu.dma_semaphore, #tpu.memory_space<semaphore_mem>>) src(%dma_wait3A_266 : memref<128x128xf32, #tpu.memory_space<vmem>>) dst(%dma_wait3A_272 : memref<1024x128xf32, #tpu.memory_space<vmem_shared>>)
      tpu.yield
    }) : () -> ()
    %dma_start3A_190 = arith.constant 7 : i32
    %dma_start3A_191 = arith.constant 0 : i32
    %dma_start3A_192 = tpu.memref_slice %arg16[%dma_start3A_190, %dma_start3A_191] : memref<8x128xi32, #tpu.memory_space<vmem>> -> memref<1x128xi32, #tpu.memory_space<vmem>>
    %dma_start3A_193 = tpu.memref_squeeze %dma_start3A_192 : memref<1x128xi32, #tpu.memory_space<vmem>> -> memref<128xi32, #tpu.memory_space<vmem>>
    %dma_start3A_194 = arith.constant 0 : i32
    %dma_start3A_195 = tpu.memref_slice %arg22[%dma_start3A_194] : memref<1024xf32, #tpu.memory_space<vmem_shared>> -> memref<1024xf32, #tpu.memory_space<vmem_shared>>
    tpu.enqueue_indirect_dma source(%arg17 : memref<128xf32, #tpu.memory_space<vmem>>) target(%dma_start3A_195 : memref<1024xf32, #tpu.memory_space<vmem_shared>>) offsets(%dma_start3A_193 : memref<128xi32, #tpu.memory_space<vmem>>) semaphore(%arg24 : memref<!tpu.dma_semaphore, #tpu.memory_space<semaphore_mem>>) {add = true}
    %run_scoped3A_196 = arith.constant 7 : i32
    "tpu.region"() ({
      %run_scoped3A_254 = tpu.sem_alloc : memref<!tpu.dma_semaphore, #tpu.memory_space<semaphore_mem>>
      %dma_start3A_255 = arith.constant 128 : i32
      %dma_start3A_256 = arith.constant 0 : i32
      %dma_start3A_257 = tpu.memref_slice %arg13[%dma_start3A_255, %dma_start3A_256] : memref<256x128xf32, #tpu.memory_space<vmem>> -> memref<128x128xf32, #tpu.memory_space<vmem>>
      %dma_start3A_258 = arith.constant 0 : i32
      %dma_start3A_259 = tpu.memref_slice %arg16[%run_scoped3A_196, %dma_start3A_258] : memref<8x128xi32, #tpu.memory_space<vmem>> -> memref<1x128xi32, #tpu.memory_space<vmem>>
      %dma_start3A_260 = tpu.memref_squeeze %dma_start3A_259 : memref<1x128xi32, #tpu.memory_space<vmem>> -> memref<128xi32, #tpu.memory_space<vmem>>
      %dma_start3A_261 = arith.constant 0 : i32
      %dma_start3A_262 = arith.constant 0 : i32
      %dma_start3A_263 = tpu.memref_slice %arg20[%dma_start3A_261, %dma_start3A_262] : memref<1024x128xf32, #tpu.memory_space<vmem_shared>> -> memref<1024x128xf32, #tpu.memory_space<vmem_shared>>
      tpu.enqueue_indirect_dma source(%dma_start3A_257 : memref<128x128xf32, #tpu.memory_space<vmem>>) target(%dma_start3A_263 : memref<1024x128xf32, #tpu.memory_space<vmem_shared>>) offsets(%dma_start3A_260 : memref<128xi32, #tpu.memory_space<vmem>>) semaphore(%run_scoped3A_254 : memref<!tpu.dma_semaphore, #tpu.memory_space<semaphore_mem>>) {add = true}
      %dma_wait3A_264 = arith.constant 128 : i32
      %dma_wait3A_265 = arith.constant 0 : i32
      %dma_wait3A_266 = tpu.memref_slice %arg13[%dma_wait3A_264, %dma_wait3A_265] : memref<256x128xf32, #tpu.memory_space<vmem>> -> memref<128x128xf32, #tpu.memory_space<vmem>>
      %dma_wait3A_267 = arith.constant 0 : i32
      %dma_wait3A_268 = tpu.memref_slice %arg16[%run_scoped3A_196, %dma_wait3A_267] : memref<8x128xi32, #tpu.memory_space<vmem>> -> memref<1x128xi32, #tpu.memory_space<vmem>>
      %dma_wait3A_269 = tpu.memref_squeeze %dma_wait3A_268 : memref<1x128xi32, #tpu.memory_space<vmem>> -> memref<128xi32, #tpu.memory_space<vmem>>
      %dma_wait3A_270 = arith.constant 0 : i32
      %dma_wait3A_271 = arith.constant 0 : i32
      %dma_wait3A_272 = tpu.memref_slice %arg20[%dma_wait3A_270, %dma_wait3A_271] : memref<1024x128xf32, #tpu.memory_space<vmem_shared>> -> memref<1024x128xf32, #tpu.memory_space<vmem_shared>>
      tpu.wait_indirect_dma semaphore(%run_scoped3A_254 : memref<!tpu.dma_semaphore, #tpu.memory_space<semaphore_mem>>) src(%dma_wait3A_266 : memref<128x128xf32, #tpu.memory_space<vmem>>) dst(%dma_wait3A_272 : memref<1024x128xf32, #tpu.memory_space<vmem_shared>>)
      tpu.yield
    }) : () -> ()
    %dma_wait3A_197 = arith.constant 4 : i32
    %dma_wait3A_198 = arith.constant 0 : i32
    %dma_wait3A_199 = tpu.memref_slice %arg16[%dma_wait3A_197, %dma_wait3A_198] : memref<8x128xi32, #tpu.memory_space<vmem>> -> memref<1x128xi32, #tpu.memory_space<vmem>>
    %dma_wait3A_200 = tpu.memref_squeeze %dma_wait3A_199 : memref<1x128xi32, #tpu.memory_space<vmem>> -> memref<128xi32, #tpu.memory_space<vmem>>
    %dma_wait3A_201 = arith.constant 0 : i32
    %dma_wait3A_202 = tpu.memref_slice %arg22[%dma_wait3A_201] : memref<1024xf32, #tpu.memory_space<vmem_shared>> -> memref<1024xf32, #tpu.memory_space<vmem_shared>>
    tpu.wait_indirect_dma semaphore(%arg24 : memref<!tpu.dma_semaphore, #tpu.memory_space<semaphore_mem>>) src(%arg17 : memref<128xf32, #tpu.memory_space<vmem>>) dst(%dma_wait3A_202 : memref<1024xf32, #tpu.memory_space<vmem_shared>>)
    %dma_wait3A_203 = arith.constant 5 : i32
    %dma_wait3A_204 = arith.constant 0 : i32
    %dma_wait3A_205 = tpu.memref_slice %arg16[%dma_wait3A_203, %dma_wait3A_204] : memref<8x128xi32, #tpu.memory_space<vmem>> -> memref<1x128xi32, #tpu.memory_space<vmem>>
    %dma_wait3A_206 = tpu.memref_squeeze %dma_wait3A_205 : memref<1x128xi32, #tpu.memory_space<vmem>> -> memref<128xi32, #tpu.memory_space<vmem>>
    %dma_wait3A_207 = arith.constant 0 : i32
    %dma_wait3A_208 = tpu.memref_slice %arg22[%dma_wait3A_207] : memref<1024xf32, #tpu.memory_space<vmem_shared>> -> memref<1024xf32, #tpu.memory_space<vmem_shared>>
    tpu.wait_indirect_dma semaphore(%arg24 : memref<!tpu.dma_semaphore, #tpu.memory_space<semaphore_mem>>) src(%arg17 : memref<128xf32, #tpu.memory_space<vmem>>) dst(%dma_wait3A_208 : memref<1024xf32, #tpu.memory_space<vmem_shared>>)
    %dma_wait3A_209 = arith.constant 6 : i32
    %dma_wait3A_210 = arith.constant 0 : i32
    %dma_wait3A_211 = tpu.memref_slice %arg16[%dma_wait3A_209, %dma_wait3A_210] : memref<8x128xi32, #tpu.memory_space<vmem>> -> memref<1x128xi32, #tpu.memory_space<vmem>>
    %dma_wait3A_212 = tpu.memref_squeeze %dma_wait3A_211 : memref<1x128xi32, #tpu.memory_space<vmem>> -> memref<128xi32, #tpu.memory_space<vmem>>
    %dma_wait3A_213 = arith.constant 0 : i32
    %dma_wait3A_214 = tpu.memref_slice %arg22[%dma_wait3A_213] : memref<1024xf32, #tpu.memory_space<vmem_shared>> -> memref<1024xf32, #tpu.memory_space<vmem_shared>>
    tpu.wait_indirect_dma semaphore(%arg24 : memref<!tpu.dma_semaphore, #tpu.memory_space<semaphore_mem>>) src(%arg17 : memref<128xf32, #tpu.memory_space<vmem>>) dst(%dma_wait3A_214 : memref<1024xf32, #tpu.memory_space<vmem_shared>>)
    %dma_wait3A_215 = arith.constant 7 : i32
    %dma_wait3A_216 = arith.constant 0 : i32
    %dma_wait3A_217 = tpu.memref_slice %arg16[%dma_wait3A_215, %dma_wait3A_216] : memref<8x128xi32, #tpu.memory_space<vmem>> -> memref<1x128xi32, #tpu.memory_space<vmem>>
    %dma_wait3A_218 = tpu.memref_squeeze %dma_wait3A_217 : memref<1x128xi32, #tpu.memory_space<vmem>> -> memref<128xi32, #tpu.memory_space<vmem>>
    %dma_wait3A_219 = arith.constant 0 : i32
    %dma_wait3A_220 = tpu.memref_slice %arg22[%dma_wait3A_219] : memref<1024xf32, #tpu.memory_space<vmem_shared>> -> memref<1024xf32, #tpu.memory_space<vmem_shared>>
    tpu.wait_indirect_dma semaphore(%arg24 : memref<!tpu.dma_semaphore, #tpu.memory_space<semaphore_mem>>) src(%arg17 : memref<128xf32, #tpu.memory_space<vmem>>) dst(%dma_wait3A_220 : memref<1024xf32, #tpu.memory_space<vmem_shared>>)
    %barrier3A_221 = arith.constant 0 : index
    tpu.barrier barrier_id(%barrier3A_221)
    %mul3A_222 = arith.constant 64 : i32
    %mul3A_223 = arith.muli %arg1, %mul3A_222 : i32
    %mul3A_224 = arith.constant 64 : i32
    %mul3A_225 = arith.muli %arg1, %mul3A_224 : i32
    %dma_start3A_226 = arith.constant 0 : i32
    %dma_start3A_227 = arith.constant 0 : i32
    %dma_start3A_228 = tpu.memref_slice %arg11[%arg0, %dma_start3A_226, %dma_start3A_227] : memref<2x1024x128xf32, #tpu.memory_space<hbm>> -> memref<1x1024x128xf32, #tpu.memory_space<hbm>>
    %dma_start3A_229 = tpu.memref_squeeze %dma_start3A_228 : memref<1x1024x128xf32, #tpu.memory_space<hbm>> -> memref<1024x128xf32, #tpu.memory_space<hbm>>
    %dma_start3A_230 = arith.constant 0 : i32
    %dma_start3A_231 = tpu.memref_slice %dma_start3A_229[%mul3A_225, %dma_start3A_230] : memref<1024x128xf32, #tpu.memory_space<hbm>> -> memref<64x128xf32, #tpu.memory_space<hbm>>
    %dma_start3A_232 = arith.constant 0 : i32
    %dma_start3A_233 = tpu.memref_slice %arg20[%mul3A_223, %dma_start3A_232] : memref<1024x128xf32, #tpu.memory_space<vmem_shared>> -> memref<64x128xf32, #tpu.memory_space<vmem_shared>>
    tpu.enqueue_dma source(%dma_start3A_233 : memref<64x128xf32, #tpu.memory_space<vmem_shared>>) target(%dma_start3A_231 : memref<64x128xf32, #tpu.memory_space<hbm>>) target_semaphore(%arg23 : memref<!tpu.dma_semaphore, #tpu.memory_space<semaphore_mem>>)
    %mul3A_234 = arith.constant 64 : i32
    %mul3A_235 = arith.muli %arg1, %mul3A_234 : i32
    "tpu.region"() ({
      %run_scoped3A_254 = tpu.sem_alloc : memref<!tpu.dma_semaphore, #tpu.memory_space<semaphore_mem>>
      %dma_start3A_255 = tpu.memref_slice %arg22[%mul3A_235] : memref<1024xf32, #tpu.memory_space<vmem_shared>> -> memref<64xf32, #tpu.memory_space<vmem_shared>>
      %dma_start3A_256 = tpu.memref_slice %arg22[%mul3A_235] : memref<1024xf32, #tpu.memory_space<vmem_shared>> -> memref<64xf32, #tpu.memory_space<vmem_shared>>
      tpu.enqueue_dma source(%dma_start3A_256 : memref<64xf32, #tpu.memory_space<vmem_shared>>) target(%arg18 : memref<64xf32, #tpu.memory_space<vmem>>) target_semaphore(%run_scoped3A_254 : memref<!tpu.dma_semaphore, #tpu.memory_space<semaphore_mem>>)
      %dma_wait3A_257 = tpu.memref_slice %arg22[%mul3A_235] : memref<1024xf32, #tpu.memory_space<vmem_shared>> -> memref<64xf32, #tpu.memory_space<vmem_shared>>
      %dma_wait3A_258 = tpu.memref_slice %arg22[%mul3A_235] : memref<1024xf32, #tpu.memory_space<vmem_shared>> -> memref<64xf32, #tpu.memory_space<vmem_shared>>
      tpu.wait_dma2 semaphore(%run_scoped3A_254 : memref<!tpu.dma_semaphore, #tpu.memory_space<semaphore_mem>>) src(%dma_wait3A_258 : memref<64xf32, #tpu.memory_space<vmem_shared>>) dst(%arg18 : memref<64xf32, #tpu.memory_space<vmem>>)
      tpu.yield
    }) : () -> ()
    %mul3A_236 = arith.constant 64 : i32
    %mul3A_237 = arith.muli %arg1, %mul3A_236 : i32
    "tpu.region"() ({
      %run_scoped3A_254 = tpu.sem_alloc : memref<!tpu.dma_semaphore, #tpu.memory_space<semaphore_mem>>
      %dma_start3A_255 = arith.constant 0 : i32
      %dma_start3A_256 = tpu.memref_slice %arg12[%arg0, %dma_start3A_255] : memref<2x1024xf32, #tpu.memory_space<hbm>> -> memref<1x1024xf32, #tpu.memory_space<hbm>>
      %dma_start3A_257 = tpu.memref_squeeze %dma_start3A_256 : memref<1x1024xf32, #tpu.memory_space<hbm>> -> memref<1024xf32, #tpu.memory_space<hbm>>
      %dma_start3A_258 = tpu.memref_slice %dma_start3A_257[%mul3A_237] : memref<1024xf32, #tpu.memory_space<hbm>> -> memref<64xf32, #tpu.memory_space<hbm>>
      %dma_start3A_259 = arith.constant 0 : i32
      %dma_start3A_260 = tpu.memref_slice %arg12[%arg0, %dma_start3A_259] : memref<2x1024xf32, #tpu.memory_space<hbm>> -> memref<1x1024xf32, #tpu.memory_space<hbm>>
      %dma_start3A_261 = tpu.memref_squeeze %dma_start3A_260 : memref<1x1024xf32, #tpu.memory_space<hbm>> -> memref<1024xf32, #tpu.memory_space<hbm>>
      %dma_start3A_262 = tpu.memref_slice %dma_start3A_261[%mul3A_237] : memref<1024xf32, #tpu.memory_space<hbm>> -> memref<64xf32, #tpu.memory_space<hbm>>
      tpu.enqueue_dma source(%arg18 : memref<64xf32, #tpu.memory_space<vmem>>) target(%dma_start3A_262 : memref<64xf32, #tpu.memory_space<hbm>>) target_semaphore(%run_scoped3A_254 : memref<!tpu.dma_semaphore, #tpu.memory_space<semaphore_mem>>)
      %dma_wait3A_263 = arith.constant 0 : i32
      %dma_wait3A_264 = tpu.memref_slice %arg12[%arg0, %dma_wait3A_263] : memref<2x1024xf32, #tpu.memory_space<hbm>> -> memref<1x1024xf32, #tpu.memory_space<hbm>>
      %dma_wait3A_265 = tpu.memref_squeeze %dma_wait3A_264 : memref<1x1024xf32, #tpu.memory_space<hbm>> -> memref<1024xf32, #tpu.memory_space<hbm>>
      %dma_wait3A_266 = tpu.memref_slice %dma_wait3A_265[%mul3A_237] : memref<1024xf32, #tpu.memory_space<hbm>> -> memref<64xf32, #tpu.memory_space<hbm>>
      %dma_wait3A_267 = arith.constant 0 : i32
      %dma_wait3A_268 = tpu.memref_slice %arg12[%arg0, %dma_wait3A_267] : memref<2x1024xf32, #tpu.memory_space<hbm>> -> memref<1x1024xf32, #tpu.memory_space<hbm>>
      %dma_wait3A_269 = tpu.memref_squeeze %dma_wait3A_268 : memref<1x1024xf32, #tpu.memory_space<hbm>> -> memref<1024xf32, #tpu.memory_space<hbm>>
      %dma_wait3A_270 = tpu.memref_slice %dma_wait3A_269[%mul3A_237] : memref<1024xf32, #tpu.memory_space<hbm>> -> memref<64xf32, #tpu.memory_space<hbm>>
      tpu.wait_dma2 semaphore(%run_scoped3A_254 : memref<!tpu.dma_semaphore, #tpu.memory_space<semaphore_mem>>) src(%arg18 : memref<64xf32, #tpu.memory_space<vmem>>) dst(%dma_wait3A_270 : memref<64xf32, #tpu.memory_space<hbm>>)
      tpu.yield
    }) : () -> ()
    %dma_wait3A_238 = arith.constant 0 : i32
    %dma_wait3A_239 = arith.constant 0 : i32
    %dma_wait3A_240 = tpu.memref_slice %arg9[%arg0, %dma_wait3A_238, %dma_wait3A_239] : memref<2x1024x128xf32, #tpu.memory_space<hbm>> -> memref<1x1024x128xf32, #tpu.memory_space<hbm>>
    %dma_wait3A_241 = tpu.memref_squeeze %dma_wait3A_240 : memref<1x1024x128xf32, #tpu.memory_space<hbm>> -> memref<1024x128xf32, #tpu.memory_space<hbm>>
    %dma_wait3A_242 = arith.constant 0 : i32
    %dma_wait3A_243 = tpu.memref_slice %dma_wait3A_241[%mul3A_148, %dma_wait3A_242] : memref<1024x128xf32, #tpu.memory_space<hbm>> -> memref<64x128xf32, #tpu.memory_space<hbm>>
    %dma_wait3A_244 = arith.constant 0 : i32
    %dma_wait3A_245 = tpu.memref_slice %arg19[%mul3A_146, %dma_wait3A_244] : memref<1024x128xf32, #tpu.memory_space<vmem_shared>> -> memref<64x128xf32, #tpu.memory_space<vmem_shared>>
    tpu.wait_dma2 semaphore(%arg23 : memref<!tpu.dma_semaphore, #tpu.memory_space<semaphore_mem>>) src(%dma_wait3A_245 : memref<64x128xf32, #tpu.memory_space<vmem_shared>>) dst(%dma_wait3A_243 : memref<64x128xf32, #tpu.memory_space<hbm>>)
    %dma_wait3A_246 = arith.constant 0 : i32
    %dma_wait3A_247 = arith.constant 0 : i32
    %dma_wait3A_248 = tpu.memref_slice %arg11[%arg0, %dma_wait3A_246, %dma_wait3A_247] : memref<2x1024x128xf32, #tpu.memory_space<hbm>> -> memref<1x1024x128xf32, #tpu.memory_space<hbm>>
    %dma_wait3A_249 = tpu.memref_squeeze %dma_wait3A_248 : memref<1x1024x128xf32, #tpu.memory_space<hbm>> -> memref<1024x128xf32, #tpu.memory_space<hbm>>
    %dma_wait3A_250 = arith.constant 0 : i32
    %dma_wait3A_251 = tpu.memref_slice %dma_wait3A_249[%mul3A_225, %dma_wait3A_250] : memref<1024x128xf32, #tpu.memory_space<hbm>> -> memref<64x128xf32, #tpu.memory_space<hbm>>
    %dma_wait3A_252 = arith.constant 0 : i32
    %dma_wait3A_253 = tpu.memref_slice %arg20[%mul3A_223, %dma_wait3A_252] : memref<1024x128xf32, #tpu.memory_space<vmem_shared>> -> memref<64x128xf32, #tpu.memory_space<vmem_shared>>
    tpu.wait_dma2 semaphore(%arg23 : memref<!tpu.dma_semaphore, #tpu.memory_space<semaphore_mem>>) src(%dma_wait3A_253 : memref<64x128xf32, #tpu.memory_space<vmem_shared>>) dst(%dma_wait3A_251 : memref<64x128xf32, #tpu.memory_space<hbm>>)
    return
  }
}

module attributes {stable_mosaic.version = 14 : i64} {
  func.func @_tc_body(%arg0: memref<2x1024x128xf32, #tpu.memory_space<vmem>>, %arg1: memref<2x1024xf32, #tpu.memory_space<vmem>>, %arg2: memref<2x1024x128xf32, #tpu.memory_space<vmem>>, %arg3: memref<2x1024xf32, #tpu.memory_space<vmem>>, %arg4: memref<1000x128xf32, #tpu.memory_space<vmem>>, %arg5: memref<1000x128xf32, #tpu.memory_space<vmem>>, %arg6: memref<1000x128xf32, #tpu.memory_space<vmem>>, %arg7: memref<1000x128xf32, #tpu.memory_space<vmem>>, %arg8: memref<1000x128xf32, #tpu.memory_space<vmem>>, %arg9: memref<1x1xf32, #tpu.memory_space<vmem>>) attributes {dimension_semantics = [], scalar_prefetch = 0 : i64, scratch_operands = 0 : i64, tpu.core_type = #tpu.core_type<tc>} {
    %broadcast_in_dim3A = arith.constant 1.000000e+00 : f32
    %broadcast_in_dim3A_0 = vector.broadcast %broadcast_in_dim3A : f32 to vector<2x128xf32>
    %get3A = arith.constant 0 : index
    %get3A_1 = arith.constant 0 : index
    %get3A_2 = arith.constant 0 : index
    %get3A_3 = vector.load %arg0[%get3A, %get3A_1, %get3A_2] : memref<2x1024x128xf32, #tpu.memory_space<vmem>>, vector<2x1024x128xf32>
    %get3A_4 = arith.constant 0 : index
    %get3A_5 = arith.constant 0 : index
    %get3A_6 = vector.load %arg1[%get3A_4, %get3A_5] : memref<2x1024xf32, #tpu.memory_space<vmem>>, vector<2x1024xf32>
    %get3A_7 = arith.constant 0 : index
    %get3A_8 = arith.constant 0 : index
    %get3A_9 = vector.load %arg4[%get3A_7, %get3A_8] : memref<1000x128xf32, #tpu.memory_space<vmem>>, vector<1000x128xf32>
    %slice3A = vector.extract_strided_slice %get3A_3 {offsets = [0, 0, 0], sizes = [1, 1024, 128], strides = [1, 1, 1]} : vector<2x1024x128xf32> to vector<1x1024x128xf32>
    %squeeze3A = vector.shape_cast %slice3A : vector<1x1024x128xf32> to vector<1024x128xf32>
    %slice3A_10 = vector.extract_strided_slice %get3A_3 {offsets = [1, 0, 0], sizes = [1, 1024, 128], strides = [1, 1, 1]} : vector<2x1024x128xf32> to vector<1x1024x128xf32>
    %squeeze3A_11 = vector.shape_cast %slice3A_10 : vector<1x1024x128xf32> to vector<1024x128xf32>
    %add3A = arith.addf %squeeze3A, %squeeze3A_11 : vector<1024x128xf32>
    %slice3A_12 = vector.extract_strided_slice %add3A {offsets = [0, 0], sizes = [1000, 128], strides = [1, 1]} : vector<1024x128xf32> to vector<1000x128xf32>
    %dot_general3A = arith.constant dense<0.000000e+00> : vector<1024x128xf32>
    %dot_general3A_13 = tpu.matmul %get3A_6, %broadcast_in_dim3A_0, %dot_general3A {dimension_numbers = #tpu.dot_dimension_numbers<[0], [0], [1], [1], [0, 1, 1, 1], [], []>, transpose_lhs_hint = false} : vector<2x1024xf32>, vector<2x128xf32>, vector<1024x128xf32> -> vector<1024x128xf32>
    %slice3A_14 = vector.extract_strided_slice %dot_general3A_13 {offsets = [0, 0], sizes = [1000, 128], strides = [1, 1]} : vector<1024x128xf32> to vector<1000x128xf32>
    %max3A = arith.constant 1.000000e+00 : f32
    %max3A_15 = vector.broadcast %max3A : f32 to vector<1000x128xf32>
    %max3A_16 = arith.maximumf %slice3A_14, %max3A_15 : vector<1000x128xf32>
    %div3A = arith.divf %slice3A_12, %max3A_16 : vector<1000x128xf32>
    %gt3A = arith.constant 0.000000e+00 : f32
    %gt3A_17 = vector.broadcast %gt3A : f32 to vector<1000x128xf32>
    %gt3A_18 = arith.cmpf ogt, %slice3A_14, %gt3A_17 : vector<1000x128xf32>
    %reduce_sum3A = arith.constant dense<0.000000e+00> : vector<1000xf32>
    %reduce_sum3A_19 = vector.multi_reduction <add>, %get3A_9, %reduce_sum3A [1] : vector<1000x128xf32> to vector<1000xf32>
    %broadcast_in_dim3A_20 = vector.shape_cast %reduce_sum3A_19 : vector<1000xf32> to vector<1000x1xf32>
    %eq3A = arith.constant 0.000000e+00 : f32
    %eq3A_21 = vector.broadcast %eq3A : f32 to vector<1000x1xf32>
    %eq3A_22 = arith.cmpf oeq, %broadcast_in_dim3A_20, %eq3A_21 : vector<1000x1xf32>
    %mul3A = arith.constant 0.899999976 : f32
    %mul3A_23 = vector.broadcast %mul3A : f32 to vector<1000x128xf32>
    %mul3A_24 = arith.mulf %mul3A_23, %get3A_9 : vector<1000x128xf32>
    %mul3A_25 = arith.constant 1.000000e-01 : f32
    %mul3A_26 = vector.broadcast %mul3A_25 : f32 to vector<1000x128xf32>
    %mul3A_27 = arith.mulf %mul3A_26, %div3A : vector<1000x128xf32>
    %add3A_28 = arith.addf %mul3A_24, %mul3A_27 : vector<1000x128xf32>
    %broadcast_in_dim3A_29 = vector.shape_cast %eq3A_22 : vector<1000x1xi1> to vector<1000x1xi1>
    %broadcast_in_dim3A_30 = vector.broadcast %broadcast_in_dim3A_29 : vector<1000x1xi1> to vector<1000x128xi1>
    %select_n3A = arith.select %broadcast_in_dim3A_30, %div3A, %add3A_28 : vector<1000x128xi1>, vector<1000x128xf32>
    %select_n3A_31 = arith.select %gt3A_18, %select_n3A, %get3A_9 : vector<1000x128xi1>, vector<1000x128xf32>
    %get3A_32 = arith.constant 0 : index
    %get3A_33 = arith.constant 0 : index
    %get3A_34 = arith.constant 0 : index
    %get3A_35 = vector.load %arg2[%get3A_32, %get3A_33, %get3A_34] : memref<2x1024x128xf32, #tpu.memory_space<vmem>>, vector<2x1024x128xf32>
    %get3A_36 = arith.constant 0 : index
    %get3A_37 = arith.constant 0 : index
    %get3A_38 = vector.load %arg3[%get3A_36, %get3A_37] : memref<2x1024xf32, #tpu.memory_space<vmem>>, vector<2x1024xf32>
    %get3A_39 = arith.constant 0 : index
    %get3A_40 = arith.constant 0 : index
    %get3A_41 = vector.load %arg5[%get3A_39, %get3A_40] : memref<1000x128xf32, #tpu.memory_space<vmem>>, vector<1000x128xf32>
    %slice3A_42 = vector.extract_strided_slice %get3A_35 {offsets = [0, 0, 0], sizes = [1, 1024, 128], strides = [1, 1, 1]} : vector<2x1024x128xf32> to vector<1x1024x128xf32>
    %squeeze3A_43 = vector.shape_cast %slice3A_42 : vector<1x1024x128xf32> to vector<1024x128xf32>
    %slice3A_44 = vector.extract_strided_slice %get3A_35 {offsets = [1, 0, 0], sizes = [1, 1024, 128], strides = [1, 1, 1]} : vector<2x1024x128xf32> to vector<1x1024x128xf32>
    %squeeze3A_45 = vector.shape_cast %slice3A_44 : vector<1x1024x128xf32> to vector<1024x128xf32>
    %add3A_46 = arith.addf %squeeze3A_43, %squeeze3A_45 : vector<1024x128xf32>
    %slice3A_47 = vector.extract_strided_slice %add3A_46 {offsets = [0, 0], sizes = [1000, 128], strides = [1, 1]} : vector<1024x128xf32> to vector<1000x128xf32>
    %dot_general3A_48 = arith.constant dense<0.000000e+00> : vector<1024x128xf32>
    %dot_general3A_49 = tpu.matmul %get3A_38, %broadcast_in_dim3A_0, %dot_general3A_48 {dimension_numbers = #tpu.dot_dimension_numbers<[0], [0], [1], [1], [0, 1, 1, 1], [], []>, transpose_lhs_hint = false} : vector<2x1024xf32>, vector<2x128xf32>, vector<1024x128xf32> -> vector<1024x128xf32>
    %slice3A_50 = vector.extract_strided_slice %dot_general3A_49 {offsets = [0, 0], sizes = [1000, 128], strides = [1, 1]} : vector<1024x128xf32> to vector<1000x128xf32>
    %max3A_51 = arith.constant 1.000000e+00 : f32
    %max3A_52 = vector.broadcast %max3A_51 : f32 to vector<1000x128xf32>
    %max3A_53 = arith.maximumf %slice3A_50, %max3A_52 : vector<1000x128xf32>
    %div3A_54 = arith.divf %slice3A_47, %max3A_53 : vector<1000x128xf32>
    %gt3A_55 = arith.constant 0.000000e+00 : f32
    %gt3A_56 = vector.broadcast %gt3A_55 : f32 to vector<1000x128xf32>
    %gt3A_57 = arith.cmpf ogt, %slice3A_50, %gt3A_56 : vector<1000x128xf32>
    %reduce_sum3A_58 = arith.constant dense<0.000000e+00> : vector<1000xf32>
    %reduce_sum3A_59 = vector.multi_reduction <add>, %get3A_41, %reduce_sum3A_58 [1] : vector<1000x128xf32> to vector<1000xf32>
    %broadcast_in_dim3A_60 = vector.shape_cast %reduce_sum3A_59 : vector<1000xf32> to vector<1000x1xf32>
    %eq3A_61 = arith.constant 0.000000e+00 : f32
    %eq3A_62 = vector.broadcast %eq3A_61 : f32 to vector<1000x1xf32>
    %eq3A_63 = arith.cmpf oeq, %broadcast_in_dim3A_60, %eq3A_62 : vector<1000x1xf32>
    %mul3A_64 = arith.constant 0.899999976 : f32
    %mul3A_65 = vector.broadcast %mul3A_64 : f32 to vector<1000x128xf32>
    %mul3A_66 = arith.mulf %mul3A_65, %get3A_41 : vector<1000x128xf32>
    %mul3A_67 = arith.constant 1.000000e-01 : f32
    %mul3A_68 = vector.broadcast %mul3A_67 : f32 to vector<1000x128xf32>
    %mul3A_69 = arith.mulf %mul3A_68, %div3A_54 : vector<1000x128xf32>
    %add3A_70 = arith.addf %mul3A_66, %mul3A_69 : vector<1000x128xf32>
    %broadcast_in_dim3A_71 = vector.shape_cast %eq3A_63 : vector<1000x1xi1> to vector<1000x1xi1>
    %broadcast_in_dim3A_72 = vector.broadcast %broadcast_in_dim3A_71 : vector<1000x1xi1> to vector<1000x128xi1>
    %select_n3A_73 = arith.select %broadcast_in_dim3A_72, %div3A_54, %add3A_70 : vector<1000x128xi1>, vector<1000x128xf32>
    %select_n3A_74 = arith.select %gt3A_57, %select_n3A_73, %get3A_41 : vector<1000x128xi1>, vector<1000x128xf32>
    %swap3A = arith.constant 0 : index
    %swap3A_75 = arith.constant 0 : index
    %swap3A_76 = vector.load %arg7[%swap3A, %swap3A_75] : memref<1000x128xf32, #tpu.memory_space<vmem>>, vector<1000x128xf32>
    tpu.vector_store %arg7[%swap3A, %swap3A_75], %select_n3A_31 {strides = array<i32>} : memref<1000x128xf32, #tpu.memory_space<vmem>>, vector<1000x128xf32>,
    %swap3A_77 = arith.constant 0 : index
    %swap3A_78 = arith.constant 0 : index
    %swap3A_79 = vector.load %arg8[%swap3A_77, %swap3A_78] : memref<1000x128xf32, #tpu.memory_space<vmem>>, vector<1000x128xf32>
    tpu.vector_store %arg8[%swap3A_77, %swap3A_78], %select_n3A_74 {strides = array<i32>} : memref<1000x128xf32, #tpu.memory_space<vmem>>, vector<1000x128xf32>,
    %get3A_80 = arith.constant 0 : index
    %get3A_81 = arith.constant 0 : index
    %get3A_82 = vector.load %arg6[%get3A_80, %get3A_81] : memref<1000x128xf32, #tpu.memory_space<vmem>>, vector<1000x128xf32>
    %reduce_sum3A_83 = arith.constant dense<0.000000e+00> : vector<1000xf32>
    %reduce_sum3A_84 = vector.multi_reduction <add>, %select_n3A_74, %reduce_sum3A_83 [1] : vector<1000x128xf32> to vector<1000xf32>
    %ne3A = arith.constant 0.000000e+00 : f32
    %ne3A_85 = vector.broadcast %ne3A : f32 to vector<1000xf32>
    %ne3A_86 = arith.cmpf one, %reduce_sum3A_84, %ne3A_85 : vector<1000xf32>
    %reduce_sum3A_87 = arith.constant dense<0.000000e+00> : vector<1000xf32>
    %reduce_sum3A_88 = vector.multi_reduction <add>, %select_n3A_31, %reduce_sum3A_87 [1] : vector<1000x128xf32> to vector<1000xf32>
    %ne3A_89 = arith.constant 0.000000e+00 : f32
    %ne3A_90 = vector.broadcast %ne3A_89 : f32 to vector<1000xf32>
    %ne3A_91 = arith.cmpf one, %reduce_sum3A_88, %ne3A_90 : vector<1000xf32>
    %and3A = arith.andi %ne3A_86, %ne3A_91 : vector<1000xi1>
    %add3A_92 = arith.addf %select_n3A_31, %get3A_82 : vector<1000x128xf32>
    %sub3A = arith.subf %select_n3A_74, %add3A_92 : vector<1000x128xf32>
    %mul3A_93 = arith.mulf %sub3A, %sub3A : vector<1000x128xf32>
    %reduce_sum3A_94 = arith.constant dense<0.000000e+00> : vector<1000xf32>
    %reduce_sum3A_95 = vector.multi_reduction <add>, %mul3A_93, %reduce_sum3A_94 [1] : vector<1000x128xf32> to vector<1000xf32>
    %sqrt3A = math.sqrt %reduce_sum3A_95 : vector<1000xf32>
    %mul3A_96 = arith.mulf %get3A_82, %get3A_82 : vector<1000x128xf32>
    %reduce_sum3A_97 = arith.constant dense<0.000000e+00> : vector<1000xf32>
    %reduce_sum3A_98 = vector.multi_reduction <add>, %mul3A_96, %reduce_sum3A_97 [1] : vector<1000x128xf32> to vector<1000xf32>
    %sqrt3A_99 = math.sqrt %reduce_sum3A_98 : vector<1000xf32>
    %mul3A_100 = arith.constant 5.000000e-01 : f32
    %mul3A_101 = vector.broadcast %mul3A_100 : f32 to vector<1000xf32>
    %mul3A_102 = arith.mulf %mul3A_101, %sqrt3A_99 : vector<1000xf32>
    %add3A_103 = arith.addf %sqrt3A, %mul3A_102 : vector<1000xf32>
    %jit3A = arith.constant 0.000000e+00 : f32
    %broadcast_in_dim3A_104 = vector.broadcast %jit3A : f32 to vector<1000xf32>
    %select_n3A_105 = arith.select %and3A, %add3A_103, %broadcast_in_dim3A_104 : vector<1000xi1>, vector<1000xf32>
    %convert_element_type3A = arith.extui %and3A : vector<1000xi1> to vector<1000xi32>
    %convert_element_type3A_106 = arith.sitofp %convert_element_type3A : vector<1000xi32> to vector<1000xf32>
    %reduce_sum3A_107 = vector.shape_cast %convert_element_type3A_106 : vector<1000xf32> to vector<1x1000xf32>
    %reduce_sum3A_108 = arith.constant dense<0.000000e+00> : vector<1xf32>
    %reduce_sum3A_109 = vector.multi_reduction <add>, %reduce_sum3A_107, %reduce_sum3A_108 [1] : vector<1x1000xf32> to vector<1xf32>
    %reduce_sum3A_110 = vector.shape_cast %reduce_sum3A_109 : vector<1xf32> to vector<1x1xf32>
    %reduce_sum3A_111 = vector.extract %reduce_sum3A_110[0, 0] : f32 from vector<1x1xf32>
    %gt3A_112 = arith.constant 0.000000e+00 : f32
    %gt3A_113 = arith.cmpf ogt, %reduce_sum3A_111, %gt3A_112 : f32
    %reduce_sum3A_114 = vector.shape_cast %select_n3A_105 : vector<1000xf32> to vector<1x1000xf32>
    %reduce_sum3A_115 = arith.constant dense<0.000000e+00> : vector<1xf32>
    %reduce_sum3A_116 = vector.multi_reduction <add>, %reduce_sum3A_114, %reduce_sum3A_115 [1] : vector<1x1000xf32> to vector<1xf32>
    %reduce_sum3A_117 = vector.shape_cast %reduce_sum3A_116 : vector<1xf32> to vector<1x1xf32>
    %reduce_sum3A_118 = vector.extract %reduce_sum3A_117[0, 0] : f32 from vector<1x1xf32>
    %max3A_119 = arith.constant 1.000000e+00 : f32
    %max3A_120 = arith.maximumf %reduce_sum3A_111, %max3A_119 : f32
    %div3A_121 = arith.divf %reduce_sum3A_118, %max3A_120 : f32
    %jit3A_122 = arith.constant 0.000000e+00 : f32
    %select_n3A_123 = arith.select %gt3A_113, %div3A_121, %jit3A_122 : f32
    %broadcast_in_dim3A_124 = vector.broadcast %select_n3A_123 : f32 to vector<1x1xf32>
    %swap3A_125 = arith.constant 0 : index
    %swap3A_126 = arith.constant 0 : index
    %swap3A_127 = vector.load %arg9[%swap3A_125, %swap3A_126] : memref<1x1xf32, #tpu.memory_space<vmem>>, vector<1x1xf32>
    tpu.vector_store %arg9[%swap3A_125, %swap3A_126], %broadcast_in_dim3A_124 {strides = array<i32>} : memref<1x1xf32, #tpu.memory_space<vmem>>, vector<1x1xf32>,
    return
  }
}

</mosaic_0001>

<sc_bundles>
// kernel: kernel.4.cloned.1.call-start
scs
__scs_entry_jumppad:
0x0: {  	(pc) =	sbr.rel $0x88, $3  }
0x1: {  	(tag) =	ssettag $0x0;
	lr =	simm.s32 $0x1  }
0x2: {  	[smem:$0x3F9A] =	sst lr;
	_ =	strace $0xD0000000  }
0x3: {  	_ = 	snop  }
0x4: {  	_ = 	snop  }
0x5: {  	_ = 	snop  }
0x6: {  	_ = 	snop  }
0x7: {  	_ = 	snop  }
__scs_overlays_trampoline_lowered:
0x8: {  	[smem:$0x3FA9] =	sst s0  }
0x9: {  	[smem:$0x3FAA] =	sst s1  }
0xa: {  	[smem:$0x3FAB] =	sst s2  }
0xb: {  	[smem:$0x3FAC] =	sst s3  }
0xc: {  	[smem:$0x3FAD] =	sst s4  }
0xd: {  	[smem:$0x3FAE] =	sst s5  }
0xe: {  	[smem:$0x3FAF] =	sst s6  }
0xf: {  	[smem:$0x3FB0] =	sst s7  }
0x10: {  	[smem:$0x3FB1] =	sst s8  }
0x11: {  	[smem:$0x3FB2] =	sst s9;
	s0 =	simm.s32 @!p0 $0x0  }
0x12: {  	s1 =	sld [smem:$0x3F98];
	s0 =	simm.s32 @p0 $0x1  }
0x13: {  	[smem:$0x3FB3] =	sst s0;
	s0 =	simm.s32 @!p1 $0x0  }
0x14: {  	s2 =	sld [smem:$0x3F97];
	s0 =	simm.s32 @p1 $0x1  }
0x15: {  	[smem:$0x3FB4] =	sst s0;
	s0 =	simm.s32 @!p2 $0x0  }
0x16: {  	s3 =	sld [smem:$0x3FDB];
	s0 =	simm.s32 @p2 $0x1  }
0x17: {  	s4 =	simm.s32 $0x1BF5;
	[smem:$0x3FB6] =	sst s0  }
0x18: {  	s0 =	sld [smem:$0x3F99];
	_ =	swait.ge [sflag:s4], $0x0  }
0x19: {  	s7 =	sld [smem:$0x3F9A]  }
0x1a: {  	s8 =	sadd.s32 $0xFFFFE003, lr  }
0x1b: {  	s9 =	sadd.s32 $0xFFFFFEF7, lr;
	s5 =	simm.s32 $0xFFFFFFFF;
	p2 =	slt.u32 s8, $0xFFFFF086  }
0x1c: {  	p1 =	slt.u32 s9, $0xF7A;
	s5 =	simm.s32 @!p2 $0x0  }
0x1d: {  	s5 =	simm.s32 @p1 $0x1;
	p0 =	seq.s32 s7, s2  }
0x1e: {  	s7 =	smul.u32 @!p0 $0xF7A, s2;
	p2 =	seq.s32 @!p0 s5, $0x0  }
0x1f: {  	s9 =	smul.u32 $0xF7A, s1;
	s8 =	simm.s32 @!p0 $0x1BF5;
	p2 =	por !p2, p0  }
0x20: {  	[sflag:s8] =	ssyncset.s32 @!p0 $0xFFFFF086;
	s6 =	sadd.s32 @!p0 s3, s7;
	s7 =	simm.s32 @!p0 $0x108  }
0x21: {  	s3 =	sadd.s32 s3, s9;
	s6 =	sadd.s32 @!p0 $0x88, s6;
	s7 =	simm.s32 @p2 $0x1082  }
0x22: {  	[simem:s7], [sflag:s8] =	dma.local @!p0 [hbm:s6], $0xF7A  }
0x23: {  	s9 =	sor.u32 $0xD0000000, s2;
	s6 =	simm.s32 $0x108;
	_ =	swait.ge @!p0 [sflag:s8], $0x0  }
0x24: {  	s3 =	sadd.s32 $0x88, s3;
	s6 =	simm.s32 @!p1 $0x1082;
	[sflag:s4] =	ssyncset.s32 $0xFFFFF086  }
0x25: {  	[simem:s6], [sflag:s4] =	dma.local [hbm:s3], $0xF7A  }
0x26: {  	[smem:$0x3F9A] =	sst s1;
	(tag) =	ssettag s2;
	_ =	strace s9  }
0x27: {  	s1 =	sld [smem:$0x3FAA]  }
0x28: {  	s2 =	sld [smem:$0x3FAB]  }
0x29: {  	s4 =	sld [smem:$0x3FAD]  }
0x2a: {  	p0 =	seq.s32 s5, $0x0;
	s5 =	sld [smem:$0x3FAE]  }
0x2b: {  	s6 =	sld [smem:$0x3FAF]  }
0x2c: {  	s7 =	sld [smem:$0x3FB0]  }
0x2d: {  	s3 =	simm.s32 $0x108;
	s8 =	sld [smem:$0x3FB1]  }
0x2e: {  	s3 =	simm.s32 @!p0 $0x1082;
	s9 =	sld [smem:$0x3FB2]  }
0x2f: {  	lr =	sadd.s32 s0, s3;
	s0 =	sld [smem:$0x3FA9]  }
0x30: {  	s3 =	sld [smem:$0x3FAC]  }
0x31: {  	[smem:$0x3FB5] =	sst s10  }
0x32: {  	s10 =	sld [smem:$0x3FB3];
	_ =	sdelay $0x3  }
0x33: {  	p0 =	seq.s32 s10, $0x1;
	s10 =	sld [smem:$0x3FB5];
	_ =	sdelay $0x3  }
0x34: {  	[smem:$0x3FB5] =	sst s10  }
0x35: {  	s10 =	sld [smem:$0x3FB4];
	_ =	sdelay $0x3  }
0x36: {  	p1 =	seq.s32 s10, $0x1;
	s10 =	sld [smem:$0x3FB5];
	_ =	sdelay $0x3  }
0x37: {  	[smem:$0x3FB5] =	sst s10  }
0x38: {  	s10 =	sld [smem:$0x3FB6]  }
0x39: {  	_ = 	snop;
	(pc) =	sbr.ind lr, $3  }
0x3a: {  	_ = 	snop  }
0x3b: {  	_ = 	snop  }
0x3c: {  	p2 =	seq.s32 s10, $0x1;
	s10 =	sld [smem:$0x3FB5]  }
0x3d: {  	_ =	shalt  }
0x3e: {  	_ =	shalt  }
0x3f: {  	_ =	shalt  }
0x40: {  	_ =	shalt  }
0x41: {  	_ =	shalt  }
0x42: {  	_ =	shalt  }
0x43: {  	_ =	shalt  }
0x44: {  	_ =	shalt  }
0x45: {  	_ =	shalt  }
0x46: {  	_ =	shalt  }
0x47: {  	_ =	shalt  }
0x48: {  	_ =	shalt  }
0x49: {  	_ =	shalt  }
0x4a: {  	_ =	shalt  }
0x4b: {  	_ =	shalt  }
0x4c: {  	_ =	shalt  }
0x4d: {  	_ =	shalt  }
0x4e: {  	_ =	shalt  }
0x4f: {  	_ =	shalt  }
0x50: {  	_ =	shalt  }
0x51: {  	_ =	shalt  }
0x52: {  	_ =	shalt  }
0x53: {  	_ =	shalt  }
0x54: {  	_ =	shalt  }
0x55: {  	_ =	shalt  }
0x56: {  	_ =	shalt  }
0x57: {  	_ =	shalt  }
0x58: {  	_ =	shalt  }
0x59: {  	_ =	shalt  }
0x5a: {  	_ =	shalt  }
0x5b: {  	_ =	shalt  }
0x5c: {  	_ =	shalt  }
0x5d: {  	_ =	shalt  }
0x5e: {  	_ =	shalt  }
0x5f: {  	_ =	shalt  }
0x60: {  	_ =	shalt  }
0x61: {  	_ =	shalt  }
0x62: {  	_ =	shalt  }
0x63: {  	_ =	shalt  }
0x64: {  	_ =	shalt  }
0x65: {  	_ =	shalt  }
0x66: {  	_ =	shalt  }
0x67: {  	_ =	shalt  }
0x68: {  	_ =	shalt  }
0x69: {  	_ =	shalt  }
0x6a: {  	_ =	shalt  }
0x6b: {  	_ =	shalt  }
0x6c: {  	_ =	shalt  }
0x6d: {  	_ =	shalt  }
0x6e: {  	_ =	shalt  }
0x6f: {  	_ =	shalt  }
0x70: {  	_ =	shalt  }
0x71: {  	_ =	shalt  }
0x72: {  	_ =	shalt  }
0x73: {  	_ =	shalt  }
0x74: {  	_ =	shalt  }
0x75: {  	_ =	shalt  }
0x76: {  	_ =	shalt  }
0x77: {  	_ =	shalt  }
0x78: {  	_ =	shalt  }
0x79: {  	_ =	shalt  }
0x7a: {  	_ =	shalt  }
0x7b: {  	_ =	shalt  }
0x7c: {  	_ =	shalt  }
0x7d: {  	_ =	shalt  }
0x7e: {  	_ =	shalt  }
0x7f: {  	_ =	shalt  }
0x80: {  	_ =	shalt  }
0x81: {  	_ =	shalt  }
0x82: {  	_ =	shalt  }
0x83: {  	_ =	shalt  }
0x84: {  	_ =	shalt  }
0x85: {  	_ =	shalt  }
0x86: {  	_ =	shalt  }
0x87: {  	_ =	shalt  }
.Lfunc_end0:
.L_simem_size_0:
called_computation_lowered:
.L_overlay_start_0:
0x88: {  	s2 =	sld [smem:$0x3FD9]  }
0x89: {  	s3 =	sld [smem:$0x3FFE];
	_ =	sdelay $0x1  }
0x8a: {  	s1 =	srdreg.scid  }
0x8b: {  	s0 =	sand.u32 $0x1, s1  }
0x8c: {  	s14 =	sshll.u32 s0, $0xA;
	s2 =	sadd.s32 s3, s2  }
0x8d: {  	s2 =	sadd.s32 s2, s14  }
0x8e: {  	[smem:$0x3FC1] =	sst s2  }
0x8f: {  	_ = 	snop  }
0x90: {  	s2 =	sld [smem:$0x3FC9]  }
0x91: {  	s15 =	sld [smem:$0x3FD0]  }
0x92: {  	s4 =	sld [smem:$0x3FC8]  }
0x93: {  	s5 =	sld [smem:$0x3FC7]  }
0x94: {  	s7 =	simm.s32 $0xA;
	s8 =	simm.s32 $0x10;
	s6 =	sld [smem:$0x3FC6]  }
0x95: {  	[smem:s8], [sflag:s7] =	dma.local [hbm:s15], $0x1  }
0x96: {  	_ =	swait.eq [sflag:s7], $0x1  }
0x97: {  	s16 =	sld [smem:$0x10];
	[sflag:s7] =	ssyncset.done $0x0  }
0x98: {  	s17 =	sld [smem:$0x11];
	[sflag:s7] =	ssyncadd.s32 $0xFFFFFFFF  }
0x99: {  	s18 =	sld [smem:$0x12];
	(tm) =	ssettm $0x1  }
0x9a: {  	s9 =	sld [smem:$0x3FFB];
	_ =	sdelay $0x3  }
0x9b: {  	_ =	strace s9  }
0x9c: {  	s9 =	sld [smem:$0x3FFC];
	_ =	sdelay $0x3  }
0x9d: {  	_ =	strace s9  }
0x9e: {  	s9 =	sld [smem:$0x3FFD];
	_ =	sdelay $0x3  }
0x9f: {  	_ =	strace s9  }
0xa0: {  	_ =	strace $0x8FFFFFFF  }
0xa1: {  	s19 =	sld [smem:$0x3FDB];
	_ =	sdelay $0x1  }
0xa2: {  	s10 =	simm.s32 $_scs_section_size  }
0xa3: {  	s11 =	simm.s32 $_size__tile_overlayer_lowered;
	s12 =	simm.s32 $_tile_overlayer_lowered  }
0xa4: {  	s22 =	simm.s32 $0x1BFF;
	s21 =	sshll.u32 s12, $0x1;
	s9 =	sadd.s32 s10, s19  }
0xa5: {  	s13 =	simm.s32 $0x0;
	s20 =	sshll.u32 s11, $0x1;
	s11 =	sadd.s32 s21, s9  }
0xa6: {  	[timem:s13], [sflag:s22] =	dma.local [hbm:s11], s20  }
0xa7: {  	_ =	swait.ge [sflag:s22], s20  }
0xa8: {  	s10 =	ssub.s32 $0x0, s20;
	[sflag:s22] =	ssyncset.done $0x0  }
0xa9: {  	[sflag:s22] =	ssyncadd.s32 s10;
	_ =	sdelay $0x1  }
0xaa: {  	s23 =	simm.s32 $0x1B8B  }
0xab: {  	_ =	swait.ge [sflag:s23], $0x1  }
0xac: {  	[sflag:s23] =	ssyncset.done $0x0  }
0xad: {  	s25 =	simm.s32 $0x1B8E;
	s24 =	sld [smem:$0x3FFE];
	[sflag:s23] =	ssyncadd.s32 $0xFFFFFFFF  }
0xae: {  	s26 =	simm.s32 $execute0_lowered;
	[smem:$0x3FD2] =	sst s25  }
0xaf: {  	s11 =	sshll.u32 s26, $0x1;
	_ =	strace $0x80000046;
	[dreg:$0x1] =	wrdreg $0xFFFFFFFF  }
0xb0: {  	s28 =	simm.s32 $_size_execute0_lowered;
	s9 =	sadd.s32 s9, s11;
	[dreg:$0x0] =	wrdreg $0x0  }
0xb1: {  	s11 =	sshll.u32 s28, $0x1;
	[dreg:$0x2] =	wrdreg s9  }
0xb2: {  	[dreg:$0x3] =	wrdreg s11  }
0xb3: {  	[dreg:$0x4] =	wrdreg $0xC0  }
0xb4: {  	_ =	task [dreg:s13], $0x5FFFF  }
0xb5: {  	[dreg:$0x1] =	wrdreg $0xFFFFFFFF  }
0xb6: {  	[dreg:$0x0] =	wrdreg $0x60  }
0xb7: {  	[dreg:$0x2] =	wrdreg s2  }
0xb8: {  	[dreg:$0x3] =	wrdreg s4  }
0xb9: {  	[dreg:$0x4] =	wrdreg s5  }
0xba: {  	[dreg:$0x5] =	wrdreg s6  }
0xbb: {  	[dreg:$0x6] =	wrdreg s17  }
0xbc: {  	[dreg:$0x7] =	wrdreg s18  }
0xbd: {  	[dreg:$0x8] =	wrdreg s24  }
0xbe: {  	[dreg:$0x9] =	wrdreg s16  }
0xbf: {  	[dreg:$0xa] =	wrdreg $0x185000  }
0xc0: {  	[dreg:$0xb] =	wrdreg $0x1A5000  }
0xc1: {  	[dreg:$0xc] =	wrdreg $0x1C5000  }
0xc2: {  	[dreg:$0xd] =	wrdreg $0x1C5400  }
0xc3: {  	[dreg:$0xe] =	wrdreg $0x9  }
0xc4: {  	_ =	task.clear_ibuf [dreg:s13], $0xFFFFF;
	_ =	strace $0x90000046  }
0xc5: {  	s29 =	simm.s32 $0x9;
	_ =	strace $0x80000048  }
0xc6: {  	_ =	swait.ge [sflag:s29], $0x1  }
0xc7: {  	[sflag:s29] =	ssyncadd.s32 $0xFFFFFFFF  }
0xc8: {  	_ =	strace $0x90000048  }
0xc9: {  	_ =	sfence  }
0xca: {  	s30 =	sld [smem:$0x0];
	_ =	sdelay $0x2  }
0xcb: {  	s31 =	sshll.u32 s1, $0xD;
	s1 =	sshrl.u32 s1, $0x2  }
0xcc: {  	s3 =	sand.u32 $0x4000, s31;
	s1 =	sadd.s32 s1, s30  }
0xcd: {  	s0 =	sor.u32 s3, s0;
	s1 =	sshll.u32 s1, $0x11  }
0xce: {  	s0 =	sor.u32 s1, s0  }
0xcf: {  	s0 =	sadd.s32 $0x8F2B, s0  }
0xd0: {  	[sflag:s0] =	ssyncadd.remote.s32 $0x1  }
0xd1: {  	_ =	sfence.sel $0xFFFF  }
0xd2: {  	[dreg:$0x0] =	wrdreg $0xFFFFFFFF;
	(pc) =	sbr.abs _section_cstart, $3  }
0xd3: {  	[dreg:$0x1] =	wrdreg $0xFFFFFFFF  }
0xd4: {  	_ =	task.clear_ibuf [dreg:s13], $0x2FFFF;
	_ =	strace $0x9FFFFFFF  }
0xd5: {  	(tm) =	ssettm $0x7FFFFFFF  }
tec
execute0_lowered:
.L_overlay_start_1:
0x0: {  	(tag) =	ssettag $0x1  }
0x1: {  	s4 =	rddreg [dreg:$0x0]  }
0x2: {  	s8 =	rddreg [dreg:$0x1]  }
0x3: {  	s9 =	rddreg [dreg:$0x2]  }
0x4: {  	s10 =	rddreg [dreg:$0x3]  }
0x5: {  	s21 =	rddreg [dreg:$0x4]  }
0x6: {  	s0 =	rddreg [dreg:$0x5]  }
0x7: {  	s11 =	rddreg [dreg:$0x6]  }
0x8: {  	s12 =	rddreg [dreg:$0x7]  }
0x9: {  	s1 =	rddreg [dreg:$0x8]  }
0xa: {  	s3 =	rddreg [dreg:$0x9]  }
0xb: {  	s5 =	rddreg [dreg:$0xa]  }
0xc: {  	s24 =	srdreg.scid;
	s6 =	rddreg [dreg:$0xb]  }
0xd: {  	s7 =	simm.s32 $0x0;
	[dreg:$0xd] =	wrdreg s0;
	s22 =	sand.u32 $0x1, s24  }
0xe: {  	s0 =	stileid.u32;
	[smem:$0x7FF] =	sst s7;
	s17 =	sadd.s32 $0x1800, s11  }
0xf: {  	s13 =	sshll.u32 s22, $0x4;
	s2 =	sshll.u32 s0, $0x6;
	_ =	strace $0x80000047  }
0x10: {  	[dreg:$0xe] =	wrdreg s17;
	s17 =	sshll.u32 s22, $0xE;
	s14 =	sor.u32 s0, s13  }
0x11: {  	s16 =	sand.u32 $0x40, s2;
	s15 =	sshll.u32 s14, $0x6;
	s26 =	sshll.u32 s14, $0xD  }
0x12: {  	s15 =	sand.u32 $0x780, s15;
	s14 =	sor.u32 $0x1000, s26;
	s18 =	sadd.s32 s9, s26  }
0x13: {  	s15 =	sor.u32 s16, s15;
	[dreg:$0x13] =	wrdreg s18;
	s19 =	sadd.s32 s9, s14  }
0x14: {  	s23 =	sshll.u32 s0, $0x7;
	s8 =	sadd.s32 s8, s15;
	[dreg:$0x14] =	wrdreg s19  }
0x15: {  	s20 =	sadd.s32 s13, s11;
	s25 =	sadd.s32 s10, s15;
	[dreg:$0xf] =	wrdreg s8  }
0x16: {  	s12 =	sadd.s32 s12, s13;
	s15 =	sadd.s32 s4, s26;
	[dreg:$0x10] =	wrdreg s25  }
0x17: {  	s4 =	sadd.s32 s4, s14;
	s26 =	simm.s32 $0xC000;
	[dreg:$0x11] =	wrdreg s15  }
0x18: {  	[dreg:$0x12] =	wrdreg s4;
	s8 =	sadd.s32 s17, s11;
	s25 =	sshll.u32 s0, $0xA  }
0x19: {  	s4 =	sand.u32 $0x700, s23;
	[dreg:$0x15] =	wrdreg s26;
	s24 =	sadd.s32 $0x1A00, s8  }
0x1a: {  	s4 =	sor.u32 s16, s4;
	s8 =	sadd.s32 $0x9A00, s8;
	s10 =	sadd.s32 s25, s24  }
0x1b: {  	s4 =	sshrl.u32 s4, $0x3;
	s8 =	sadd.s32 s25, s8;
	[dreg:$0x16] =	wrdreg s10  }
0x1c: {  	s19 =	sshll.u32 s0, $0xD;
	s0 =	sadd.s32 s4, s12;
	[dreg:$0x19] =	wrdreg s8  }
0x1d: {  	s9 =	sadd.s32 $0x11A00, s20;
	s12 =	simm.s32 $0x14000;
	[dreg:$0x17] =	wrdreg s0  }
0x1e: {  	s13 =	sadd.s32 s19, s1;
	s4 =	sadd.s32 s4, s9;
	[dreg:$0x18] =	wrdreg s12  }
0x1f: {  	s8 =	sor.u32 $0x1C01, s2;
	s9 =	sshrl.u32 s13, $0x3;
	[dreg:$0x1a] =	wrdreg s4  }
0x20: {  	[spmem:s9], [sflag:s8] =	dma.local [hbm:s21], $0x400  }
0x21: {  	s10 =	simm.s32 $0x18480;
	s14 =	rddreg [dreg:$0xd]  }
0x22: {  	[tilespmem:s10], [sflag:$0x1] =	stream.linear.gather [hbm4b:s14+s7], $0x80, $0x38;
	[tilespmem:$0x1C580] =	vst v63  }
0x23: {  	s11 =	simm.s32 $0x18000;
	s15 =	rddreg [dreg:$0xf]  }
0x24: {  	[tilespmem:s11], [sflag:$0x1] =	stream.linear.gather [hbm4b:s15+s7], $0x200, $0x38;
	[tilespmem:$0x1C580] =	vst v63  }
0x25: {  	s12 =	simm.s32 $0x18200;
	s16 =	rddreg [dreg:$0x10]  }
0x26: {  	[tilespmem:s12], [sflag:$0x1] =	stream.linear.gather [hbm4b:s16+s7], $0x200, $0x38;
	[tilespmem:$0x1C580] =	vst v63  }
0x27: {  	s13 =	simm.s32 $0x18400;
	s17 =	rddreg [dreg:$0xe]  }
0x28: {  	[tilespmem:s13], [sflag:$0x1] =	stream.linear.gather [hbm4b:s17+s7], $0x80, $0x38;
	[tilespmem:$0x1C580] =	vst v63  }
0x29: {  	s18 =	rddreg [dreg:$0x11]  }
0x2a: {  	[tilespmem:s7], [sflag:$0x3] =	stream.linear.gather [hbm4b:s18+s7], $0x8000, $0x38;
	[tilespmem:$0x1C580] =	vst v63  }
0x2b: {  	s0 =	simm.s32 $0x8000;
	s20 =	rddreg [dreg:$0x12]  }
0x2c: {  	[tilespmem:s0], [sflag:$0x4] =	stream.linear.gather [hbm4b:s20+s7], $0x8000, $0x38;
	[tilespmem:$0x1C580] =	vst v63  }
0x2d: {  	s23 =	rddreg [dreg:$0x13];
	s14 =	simm.s32 $0x10000;
	s15 =	simm.s32 $0x1  }
0x2e: {  	[tilespmem:s14], [sflag:$0x5] =	stream.linear.gather [hbm4b:s23+s7], $0x8000, $0x38;
	[tilespmem:$0x1C580] =	vst v63  }
0x2f: {  	_ =	swait.ge [sflag:s15], $0x400  }
0x30: {  	[sflag:s15] =	ssyncset.done $0x0  }
0x31: {  	[sflag:s15] =	ssyncadd.s32 $0xFFFFFC00  }
0x32: {  	_ =	swait.ge [sflag:s15], $0x80  }
0x33: {  	[sflag:s15] =	ssyncset.done $0x0  }
0x34: {  	[sflag:s15] =	ssyncadd.s32 $0xFFFFFF80  }
0x35: {  	_ =	swait.ge [sflag:s15], $0x200  }
0x36: {  	[sflag:s15] =	ssyncset.done $0x0  }
0x37: {  	[sflag:s15] =	ssyncadd.s32 $0xFFFFFE00  }
0x38: {  	_ =	swait.ge [sflag:s15], $0x200  }
0x39: {  	[sflag:s15] =	ssyncset.done $0x0  }
0x3a: {  	[sflag:s15] =	ssyncadd.s32 $0xFFFFFE00  }
0x3b: {  	_ =	swait.ge [sflag:s15], $0x80  }
0x3c: {  	[sflag:s15] =	ssyncset.done $0x0  }
0x3d: {  	s17 =	sadd.s32 s2, s5;
	s18 =	simm.s32 $0x6;
	[sflag:s15] =	ssyncadd.s32 $0xFFFFFF80  }
0x3e: {  	[spmem:s17] =	stream.linear.scatter [tilespmem:s10], [sflag:$0x6], $0x40, $0x38;
	[tilespmem:$0x1C580] =	vst v63  }
0x3f: {  	_ =	swait.ge [sflag:s18], $0x40  }
0x40: {  	[sflag:s18] =	ssyncset.done $0x0  }
0x41: {  	s24 =	sadd.s32 s19, s3;
	[sflag:s18] =	ssyncadd.s32 $0xFFFFFFC0  }
0x42: {  	s19 =	sshrl.u32 s24, $0x3;
	s20 =	simm.s32 $0x3;
	[bflag:$0x0] =	sbarrier.arrive $0xFFFF  }
0x43: {  	[spmem:s19], [sflag:s8] =	dma.local [hbm:s21], $0x400  }
0x44: {  	_ =	swait.ge [sflag:s20], $0x8000  }
0x45: {  	[sflag:s20] =	ssyncset.done $0x0  }
0x46: {  	s21 =	simm.s32 $0x80;
	[sflag:s20] =	ssyncadd.s32 $0xFFFF8000  }
0x47: {  	[spmem:s5] =	stream.indirect.scatter.add.f32 [tilespmem:s13], [sflag:$0x2], $0x1, s11, s21, $0xb8;
	[tilespmem:$0x1C580] =	vst v63  }
0x48: {  	_ = 	snop  }
0x49: {  	[spmem:s1] =	stream.indirect.scatter.add.f32 [tilespmem:s7], [sflag:$0x6], $0x80, s11, s21, $0xb8;
	[tilespmem:$0x1C580] =	vst v63  }
0x4a: {  	_ =	swait.ge [sflag:s18], $0x4000  }
0x4b: {  	[sflag:s18] =	ssyncset.done $0x0  }
0x4c: {  	s25 =	simm.s32 $0x18080;
	[sflag:s18] =	ssyncadd.s32 $0xFFFFC000  }
0x4d: {  	[spmem:s5] =	stream.indirect.scatter.add.f32 [tilespmem:s13], [sflag:$0x2], $0x1, s25, s21, $0xb8;
	[tilespmem:$0x1C580] =	vst v63  }
0x4e: {  	s16 =	simm.s32 $0x4000  }
0x4f: {  	[spmem:s1] =	stream.indirect.scatter.add.f32 [tilespmem:s16], [sflag:$0x6], $0x80, s25, s21, $0xb8;
	[tilespmem:$0x1C580] =	vst v63  }
0x50: {  	_ =	swait.ge [sflag:s18], $0x4000  }
0x51: {  	[sflag:s18] =	ssyncset.done $0x0  }
0x52: {  	s24 =	simm.s32 $0x4;
	s26 =	rddreg [dreg:$0x14];
	[sflag:s18] =	ssyncadd.s32 $0xFFFFC000  }
0x53: {  	[tilespmem:s7], [sflag:$0x3] =	stream.linear.gather [hbm4b:s26+s7], $0x8000, $0x38;
	[tilespmem:$0x1C580] =	vst v63  }
0x54: {  	_ =	swait.ge [sflag:s24], $0x8000  }
0x55: {  	[sflag:s24] =	ssyncset.done $0x0  }
0x56: {  	s25 =	simm.s32 $0x18100;
	[sflag:s24] =	ssyncadd.s32 $0xFFFF8000  }
0x57: {  	[spmem:s5] =	stream.indirect.scatter.add.f32 [tilespmem:s13], [sflag:$0x2], $0x1, s25, s21, $0xb8;
	[tilespmem:$0x1C580] =	vst v63  }
0x58: {  	_ = 	snop  }
0x59: {  	[spmem:s1] =	stream.indirect.scatter.add.f32 [tilespmem:s0], [sflag:$0x6], $0x80, s25, s21, $0xb8;
	[tilespmem:$0x1C580] =	vst v63  }
0x5a: {  	_ =	swait.ge [sflag:s18], $0x4000  }
0x5b: {  	[sflag:s18] =	ssyncset.done $0x0  }
0x5c: {  	s26 =	simm.s32 $0x18180;
	[sflag:s18] =	ssyncadd.s32 $0xFFFFC000  }
0x5d: {  	[spmem:s5] =	stream.indirect.scatter.add.f32 [tilespmem:s13], [sflag:$0x2], $0x1, s26, s21, $0xb8;
	[tilespmem:$0x1C580] =	vst v63  }
0x5e: {  	s0 =	rddreg [dreg:$0x15]  }
0x5f: {  	[spmem:s1] =	stream.indirect.scatter.add.f32 [tilespmem:s0], [sflag:$0x6], $0x80, s26, s21, $0xb8;
	[tilespmem:$0x1C580] =	vst v63  }
0x60: {  	_ =	swait.ge [sflag:s18], $0x4000  }
0x61: {  	[sflag:s18] =	ssyncset.done $0x0  }
0x62: {  	s28 =	simm.s32 $0x2;
	[sflag:s18] =	ssyncadd.s32 $0xFFFFC000  }
0x63: {  	_ =	swait.ge [sflag:s28], $0x80  }
0x64: {  	[sflag:s28] =	ssyncset.done $0x0  }
0x65: {  	[sflag:s28] =	ssyncadd.s32 $0xFFFFFF80  }
0x66: {  	_ =	swait.ge [sflag:s28], $0x80  }
0x67: {  	[sflag:s28] =	ssyncset.done $0x0  }
0x68: {  	[sflag:s28] =	ssyncadd.s32 $0xFFFFFF80  }
0x69: {  	_ =	swait.ge [sflag:s28], $0x80  }
0x6a: {  	[sflag:s28] =	ssyncset.done $0x0  }
0x6b: {  	[sflag:s28] =	ssyncadd.s32 $0xFFFFFF80  }
0x6c: {  	_ =	swait.ge [sflag:s28], $0x80  }
0x6d: {  	[sflag:s28] =	ssyncset.done $0x0  }
0x6e: {  	[sflag:s28] =	ssyncadd.s32 $0xFFFFFF80  }
0x6f: {  	_ =	swait.ge [sflag:s15], $0x400  }
0x70: {  	[sflag:s15] =	ssyncset.done $0x0  }
0x71: {  	s29 =	sadd.s32 s2, s6;
	[sflag:s15] =	ssyncadd.s32 $0xFFFFFC00  }
0x72: {  	[spmem:s29] =	stream.linear.scatter [tilespmem:s10], [sflag:$0x6], $0x40, $0x38;
	[tilespmem:$0x1C580] =	vst v63  }
0x73: {  	_ =	swait.ge [sflag:s18], $0x40  }
0x74: {  	[sflag:s18] =	ssyncset.done $0x0  }
0x75: {  	[sflag:s18] =	ssyncadd.s32 $0xFFFFFFC0  }
0x76: {  	[bflag:$0x0] =	sbarrier.arrive $0xFFFF  }
0x77: {  	s23 =	rddreg [dreg:$0x16]  }
0x78: {  	[hbm:s23], [sflag:s8] =	dma.local [spmem:s9], $0x400  }
0x79: {  	[tilespmem:s10], [sflag:$0x6] =	stream.linear.gather [spmem:s17], $0x40, $0x38;
	[tilespmem:$0x1C580] =	vst v63  }
0x7a: {  	_ =	swait.ge [sflag:s18], $0x40  }
0x7b: {  	[sflag:s18] =	ssyncset.done $0x0  }
0x7c: {  	s0 =	rddreg [dreg:$0x17];
	[sflag:s18] =	ssyncadd.s32 $0xFFFFFFC0  }
0x7d: {  	[hbm4b:s0+s7] =	stream.linear.scatter [tilespmem:s10], [sflag:$0x6], $0x40, $0x38;
	[tilespmem:$0x1C580] =	vst v63  }
0x7e: {  	_ =	swait.ge [sflag:s18], $0x40  }
0x7f: {  	[sflag:s18] =	ssyncset.done $0x0  }
0x80: {  	s30 =	simm.s32 $0x5;
	[sflag:s18] =	ssyncadd.s32 $0xFFFFFFC0  }
0x81: {  	_ =	swait.ge [sflag:s30], $0x8000  }
0x82: {  	[sflag:s30] =	ssyncset.done $0x0  }
0x83: {  	[sflag:s30] =	ssyncadd.s32 $0xFFFF8000  }
0x84: {  	[spmem:s6] =	stream.indirect.scatter.add.f32 [tilespmem:s13], [sflag:$0x2], $0x1, s12, s21, $0xb8;
	[tilespmem:$0x1C580] =	vst v63  }
0x85: {  	_ = 	snop  }
0x86: {  	[spmem:s3] =	stream.indirect.scatter.add.f32 [tilespmem:s14], [sflag:$0x6], $0x80, s12, s21, $0xb8;
	[tilespmem:$0x1C580] =	vst v63  }
0x87: {  	_ =	swait.ge [sflag:s18], $0x4000  }
0x88: {  	[sflag:s18] =	ssyncset.done $0x0  }
0x89: {  	s31 =	simm.s32 $0x18280;
	[sflag:s18] =	ssyncadd.s32 $0xFFFFC000  }
0x8a: {  	[spmem:s6] =	stream.indirect.scatter.add.f32 [tilespmem:s13], [sflag:$0x2], $0x1, s31, s21, $0xb8;
	[tilespmem:$0x1C580] =	vst v63  }
0x8b: {  	s4 =	rddreg [dreg:$0x18]  }
0x8c: {  	[spmem:s3] =	stream.indirect.scatter.add.f32 [tilespmem:s4], [sflag:$0x6], $0x80, s31, s21, $0xb8;
	[tilespmem:$0x1C580] =	vst v63  }
0x8d: {  	_ =	swait.ge [sflag:s18], $0x4000  }
0x8e: {  	[sflag:s18] =	ssyncset.done $0x0  }
0x8f: {  	[sflag:s18] =	ssyncadd.s32 $0xFFFFC000  }
0x90: {  	_ =	swait.ge [sflag:s20], $0x8000  }
0x91: {  	[sflag:s20] =	ssyncset.done $0x0  }
0x92: {  	s2 =	simm.s32 $0x18300;
	[sflag:s20] =	ssyncadd.s32 $0xFFFF8000  }
0x93: {  	[spmem:s6] =	stream.indirect.scatter.add.f32 [tilespmem:s13], [sflag:$0x2], $0x1, s2, s21, $0xb8;
	[tilespmem:$0x1C580] =	vst v63  }
0x94: {  	_ = 	snop  }
0x95: {  	[spmem:s3] =	stream.indirect.scatter.add.f32 [tilespmem:s7], [sflag:$0x6], $0x80, s2, s21, $0xb8;
	[tilespmem:$0x1C580] =	vst v63  }
0x96: {  	_ =	swait.ge [sflag:s18], $0x4000  }
0x97: {  	[sflag:s18] =	ssyncset.done $0x0  }
0x98: {  	s4 =	simm.s32 $0x18380;
	[sflag:s18] =	ssyncadd.s32 $0xFFFFC000  }
0x99: {  	[spmem:s6] =	stream.indirect.scatter.add.f32 [tilespmem:s13], [sflag:$0x2], $0x1, s4, s21, $0xb8;
	[tilespmem:$0x1C580] =	vst v63  }
0x9a: {  	_ = 	snop  }
0x9b: {  	[spmem:s3] =	stream.indirect.scatter.add.f32 [tilespmem:s16], [sflag:$0x6], $0x80, s4, s21, $0xb8;
	[tilespmem:$0x1C580] =	vst v63  }
0x9c: {  	_ =	swait.ge [sflag:s18], $0x4000  }
0x9d: {  	[sflag:s18] =	ssyncset.done $0x0  }
0x9e: {  	[sflag:s18] =	ssyncadd.s32 $0xFFFFC000  }
0x9f: {  	_ =	swait.ge [sflag:s28], $0x80  }
0xa0: {  	[sflag:s28] =	ssyncset.done $0x0  }
0xa1: {  	[sflag:s28] =	ssyncadd.s32 $0xFFFFFF80  }
0xa2: {  	_ =	swait.ge [sflag:s28], $0x80  }
0xa3: {  	[sflag:s28] =	ssyncset.done $0x0  }
0xa4: {  	[sflag:s28] =	ssyncadd.s32 $0xFFFFFF80  }
0xa5: {  	_ =	swait.ge [sflag:s28], $0x80  }
0xa6: {  	[sflag:s28] =	ssyncset.done $0x0  }
0xa7: {  	[sflag:s28] =	ssyncadd.s32 $0xFFFFFF80  }
0xa8: {  	_ =	swait.ge [sflag:s28], $0x80  }
0xa9: {  	[sflag:s28] =	ssyncset.done $0x0  }
0xaa: {  	[sflag:s28] =	ssyncadd.s32 $0xFFFFFF80  }
0xab: {  	[bflag:$0x0] =	sbarrier.arrive $0xFFFF  }
0xac: {  	s14 =	rddreg [dreg:$0x19]  }
0xad: {  	[hbm:s14], [sflag:s8] =	dma.local [spmem:s19], $0x400  }
0xae: {  	[tilespmem:s10], [sflag:$0x6] =	stream.linear.gather [spmem:s29], $0x40, $0x38;
	[tilespmem:$0x1C580] =	vst v63  }
0xaf: {  	_ =	swait.ge [sflag:s18], $0x40  }
0xb0: {  	s22 =	ssub.s32 $0x2, s22;
	[sflag:s18] =	ssyncset.done $0x0  }
0xb1: {  	s23 =	sshrl.u32 s22, $0x1;
	s16 =	rddreg [dreg:$0x1a];
	[sflag:s18] =	ssyncadd.s32 $0xFFFFFFC0  }
0xb2: {  	[hbm4b:s16+s7] =	stream.linear.scatter [tilespmem:s10], [sflag:$0x6], $0x40, $0x38;
	[tilespmem:$0x1C580] =	vst v63  }
0xb3: {  	s0 =	ssub.s32 s22, s23;
	_ =	swait.ge [sflag:s18], $0x40  }
0xb4: {  	s0 =	smax.u32 s0, $0x1;
	[sflag:s18] =	ssyncset.done $0x0  }
0xb5: {  	p0 =	sne.s32 s0, $0x1;
	[sflag:s18] =	ssyncadd.s32 $0xFFFFFFC0  }
.Ltmp0:
0xb6: {  	_ =	swait.ge [sflag:s15], $0x400;
	(pc) =	sbr.rel @!p0 .LBB2_3-.Ltmp0, $4  }
0xb7: {  	[sflag:s15] =	ssyncset.done $0x0  }
0xb8: {  	[sflag:s15] =	ssyncadd.s32 $0xFFFFFC00  }
0xb9: {  	_ =	swait.ge [sflag:s15], $0x400  }
0xba: {  	s0 =	sadd.s32 $0xFFFFFFFF, s0;
	[sflag:s15] =	ssyncset.done $0x0  }
0xbb: {  	s23 =	simm.s32 $0x8000  }
.LBB2_2:
0xbc: {  	[sflag:s15] =	ssyncadd.s32 $0xFFFFFC00  }
0xbd: {  	s22 =	rddreg [dreg:$0x4]  }
0xbe: {  	[spmem:s9], [sflag:s8] =	dma.local [hbm:s22], $0x400  }
0xbf: {  	s14 =	rddreg [dreg:$0xd]  }
0xc0: {  	[tilespmem:s10], [sflag:$0x1] =	stream.linear.gather [hbm4b:s14+s7], $0x80, $0x38;
	[tilespmem:$0x1C580] =	vst v63  }
0xc1: {  	s16 =	rddreg [dreg:$0xf]  }
0xc2: {  	[tilespmem:s11], [sflag:$0x1] =	stream.linear.gather [hbm4b:s16+s7], $0x200, $0x38;
	[tilespmem:$0x1C580] =	vst v63  }
0xc3: {  	s14 =	rddreg [dreg:$0x10]  }
0xc4: {  	[tilespmem:s12], [sflag:$0x1] =	stream.linear.gather [hbm4b:s14+s7], $0x200, $0x38;
	[tilespmem:$0x1C580] =	vst v63  }
0xc5: {  	s16 =	rddreg [dreg:$0xe]  }
0xc6: {  	[tilespmem:s13], [sflag:$0x1] =	stream.linear.gather [hbm4b:s16+s7], $0x80, $0x38;
	[tilespmem:$0x1C580] =	vst v63  }
0xc7: {  	s14 =	rddreg [dreg:$0x11]  }
0xc8: {  	[tilespmem:s7], [sflag:$0x3] =	stream.linear.gather [hbm4b:s14+s7], $0x8000, $0x38;
	[tilespmem:$0x1C580] =	vst v63  }
0xc9: {  	s16 =	rddreg [dreg:$0x12]  }
0xca: {  	[tilespmem:s23], [sflag:$0x4] =	stream.linear.gather [hbm4b:s16+s7], $0x8000, $0x38;
	[tilespmem:$0x1C580] =	vst v63  }
0xcb: {  	s14 =	rddreg [dreg:$0x13];
	s16 =	simm.s32 $0x10000  }
0xcc: {  	[tilespmem:s16], [sflag:$0x5] =	stream.linear.gather [hbm4b:s14+s7], $0x8000, $0x38;
	[tilespmem:$0x1C580] =	vst v63  }
0xcd: {  	_ =	swait.ge [sflag:s15], $0x400  }
0xce: {  	[sflag:s15] =	ssyncset.done $0x0  }
0xcf: {  	[sflag:s15] =	ssyncadd.s32 $0xFFFFFC00  }
0xd0: {  	_ =	swait.ge [sflag:s15], $0x80  }
0xd1: {  	[sflag:s15] =	ssyncset.done $0x0  }
0xd2: {  	[sflag:s15] =	ssyncadd.s32 $0xFFFFFF80  }
0xd3: {  	_ =	swait.ge [sflag:s15], $0x200  }
0xd4: {  	[sflag:s15] =	ssyncset.done $0x0  }
0xd5: {  	[sflag:s15] =	ssyncadd.s32 $0xFFFFFE00  }
0xd6: {  	_ =	swait.ge [sflag:s15], $0x200  }
0xd7: {  	[sflag:s15] =	ssyncset.done $0x0  }
0xd8: {  	[sflag:s15] =	ssyncadd.s32 $0xFFFFFE00  }
0xd9: {  	_ =	swait.ge [sflag:s15], $0x80  }
0xda: {  	[sflag:s15] =	ssyncset.done $0x0  }
0xdb: {  	[sflag:s15] =	ssyncadd.s32 $0xFFFFFF80  }
0xdc: {  	[spmem:s17] =	stream.linear.scatter [tilespmem:s10], [sflag:$0x6], $0x40, $0x38;
	[tilespmem:$0x1C580] =	vst v63  }
0xdd: {  	_ =	swait.ge [sflag:s18], $0x40  }
0xde: {  	[sflag:s18] =	ssyncset.done $0x0  }
0xdf: {  	[sflag:s18] =	ssyncadd.s32 $0xFFFFFFC0  }
0xe0: {  	[bflag:$0x0] =	sbarrier.arrive $0xFFFF  }
0xe1: {  	[spmem:s19], [sflag:s8] =	dma.local [hbm:s22], $0x400  }
0xe2: {  	_ =	swait.ge [sflag:s20], $0x8000  }
0xe3: {  	[sflag:s20] =	ssyncset.done $0x0  }
0xe4: {  	[sflag:s20] =	ssyncadd.s32 $0xFFFF8000  }
0xe5: {  	[spmem:s5] =	stream.indirect.scatter.add.f32 [tilespmem:s13], [sflag:$0x2], $0x1, s11, s21, $0xb8;
	[tilespmem:$0x1C580] =	vst v63  }
0xe6: {  	_ = 	snop  }
0xe7: {  	[spmem:s1] =	stream.indirect.scatter.add.f32 [tilespmem:s7], [sflag:$0x6], $0x80, s11, s21, $0xb8;
	[tilespmem:$0x1C580] =	vst v63  }
0xe8: {  	_ =	swait.ge [sflag:s18], $0x4000  }
0xe9: {  	[sflag:s18] =	ssyncset.done $0x0  }
0xea: {  	s14 =	simm.s32 $0x18080;
	[sflag:s18] =	ssyncadd.s32 $0xFFFFC000  }
0xeb: {  	[spmem:s5] =	stream.indirect.scatter.add.f32 [tilespmem:s13], [sflag:$0x2], $0x1, s14, s21, $0xb8;
	[tilespmem:$0x1C580] =	vst v63  }
0xec: {  	s22 =	simm.s32 $0x4000  }
0xed: {  	[spmem:s1] =	stream.indirect.scatter.add.f32 [tilespmem:s22], [sflag:$0x6], $0x80, s14, s21, $0xb8;
	[tilespmem:$0x1C580] =	vst v63  }
0xee: {  	_ =	swait.ge [sflag:s18], $0x4000  }
0xef: {  	[sflag:s18] =	ssyncset.done $0x0  }
0xf0: {  	s14 =	rddreg [dreg:$0x14];
	[sflag:s18] =	ssyncadd.s32 $0xFFFFC000  }
0xf1: {  	[tilespmem:s7], [sflag:$0x3] =	stream.linear.gather [hbm4b:s14+s7], $0x8000, $0x38;
	[tilespmem:$0x1C580] =	vst v63  }
0xf2: {  	_ =	swait.ge [sflag:s24], $0x8000  }
0xf3: {  	[sflag:s24] =	ssyncset.done $0x0  }
0xf4: {  	[sflag:s24] =	ssyncadd.s32 $0xFFFF8000  }
0xf5: {  	[spmem:s5] =	stream.indirect.scatter.add.f32 [tilespmem:s13], [sflag:$0x2], $0x1, s25, s21, $0xb8;
	[tilespmem:$0x1C580] =	vst v63  }
0xf6: {  	_ = 	snop  }
0xf7: {  	[spmem:s1] =	stream.indirect.scatter.add.f32 [tilespmem:s23], [sflag:$0x6], $0x80, s25, s21, $0xb8;
	[tilespmem:$0x1C580] =	vst v63  }
0xf8: {  	_ =	swait.ge [sflag:s18], $0x4000  }
0xf9: {  	[sflag:s18] =	ssyncset.done $0x0  }
0xfa: {  	[sflag:s18] =	ssyncadd.s32 $0xFFFFC000  }
0xfb: {  	[spmem:s5] =	stream.indirect.scatter.add.f32 [tilespmem:s13], [sflag:$0x2], $0x1, s26, s21, $0xb8;
	[tilespmem:$0x1C580] =	vst v63  }
0xfc: {  	s14 =	rddreg [dreg:$0x15]  }
0xfd: {  	[spmem:s1] =	stream.indirect.scatter.add.f32 [tilespmem:s14], [sflag:$0x6], $0x80, s26, s21, $0xb8;
	[tilespmem:$0x1C580] =	vst v63  }
0xfe: {  	_ =	swait.ge [sflag:s18], $0x4000  }
0xff: {  	[sflag:s18] =	ssyncset.done $0x0  }
0x100: {  	[sflag:s18] =	ssyncadd.s32 $0xFFFFC000  }
0x101: {  	_ =	swait.ge [sflag:s28], $0x80  }
0x102: {  	[sflag:s28] =	ssyncset.done $0x0  }
0x103: {  	[sflag:s28] =	ssyncadd.s32 $0xFFFFFF80  }
0x104: {  	_ =	swait.ge [sflag:s28], $0x80  }
0x105: {  	[sflag:s28] =	ssyncset.done $0x0  }
0x106: {  	[sflag:s28] =	ssyncadd.s32 $0xFFFFFF80  }
0x107: {  	_ =	swait.ge [sflag:s28], $0x80  }
0x108: {  	[sflag:s28] =	ssyncset.done $0x0  }
0x109: {  	[sflag:s28] =	ssyncadd.s32 $0xFFFFFF80  }
0x10a: {  	_ =	swait.ge [sflag:s28], $0x80  }
0x10b: {  	[sflag:s28] =	ssyncset.done $0x0  }
0x10c: {  	[sflag:s28] =	ssyncadd.s32 $0xFFFFFF80  }
0x10d: {  	_ =	swait.ge [sflag:s15], $0x400  }
0x10e: {  	[sflag:s15] =	ssyncset.done $0x0  }
0x10f: {  	[sflag:s15] =	ssyncadd.s32 $0xFFFFFC00  }
0x110: {  	[spmem:s29] =	stream.linear.scatter [tilespmem:s10], [sflag:$0x6], $0x40, $0x38;
	[tilespmem:$0x1C580] =	vst v63  }
0x111: {  	_ =	swait.ge [sflag:s18], $0x40  }
0x112: {  	[sflag:s18] =	ssyncset.done $0x0  }
0x113: {  	[sflag:s18] =	ssyncadd.s32 $0xFFFFFFC0  }
0x114: {  	[bflag:$0x0] =	sbarrier.arrive $0xFFFF  }
0x115: {  	s14 =	rddreg [dreg:$0x16]  }
0x116: {  	[hbm:s14], [sflag:s8] =	dma.local [spmem:s9], $0x400  }
0x117: {  	[tilespmem:s10], [sflag:$0x6] =	stream.linear.gather [spmem:s17], $0x40, $0x38;
	[tilespmem:$0x1C580] =	vst v63  }
0x118: {  	_ =	swait.ge [sflag:s18], $0x40  }
0x119: {  	[sflag:s18] =	ssyncset.done $0x0  }
0x11a: {  	s14 =	rddreg [dreg:$0x17];
	[sflag:s18] =	ssyncadd.s32 $0xFFFFFFC0  }
0x11b: {  	[hbm4b:s14+s7] =	stream.linear.scatter [tilespmem:s10], [sflag:$0x6], $0x40, $0x38;
	[tilespmem:$0x1C580] =	vst v63  }
0x11c: {  	_ =	swait.ge [sflag:s18], $0x40  }
0x11d: {  	[sflag:s18] =	ssyncset.done $0x0  }
0x11e: {  	[sflag:s18] =	ssyncadd.s32 $0xFFFFFFC0  }
0x11f: {  	_ =	swait.ge [sflag:s30], $0x8000  }
0x120: {  	[sflag:s30] =	ssyncset.done $0x0  }
0x121: {  	[sflag:s30] =	ssyncadd.s32 $0xFFFF8000  }
0x122: {  	[spmem:s6] =	stream.indirect.scatter.add.f32 [tilespmem:s13], [sflag:$0x2], $0x1, s12, s21, $0xb8;
	[tilespmem:$0x1C580] =	vst v63  }
0x123: {  	_ = 	snop  }
0x124: {  	[spmem:s3] =	stream.indirect.scatter.add.f32 [tilespmem:s16], [sflag:$0x6], $0x80, s12, s21, $0xb8;
	[tilespmem:$0x1C580] =	vst v63  }
0x125: {  	_ =	swait.ge [sflag:s18], $0x4000  }
0x126: {  	[sflag:s18] =	ssyncset.done $0x0  }
0x127: {  	[sflag:s18] =	ssyncadd.s32 $0xFFFFC000  }
0x128: {  	[spmem:s6] =	stream.indirect.scatter.add.f32 [tilespmem:s13], [sflag:$0x2], $0x1, s31, s21, $0xb8;
	[tilespmem:$0x1C580] =	vst v63  }
0x129: {  	s16 =	rddreg [dreg:$0x18]  }
0x12a: {  	[spmem:s3] =	stream.indirect.scatter.add.f32 [tilespmem:s16], [sflag:$0x6], $0x80, s31, s21, $0xb8;
	[tilespmem:$0x1C580] =	vst v63  }
0x12b: {  	_ =	swait.ge [sflag:s18], $0x4000  }
0x12c: {  	[sflag:s18] =	ssyncset.done $0x0  }
0x12d: {  	[sflag:s18] =	ssyncadd.s32 $0xFFFFC000  }
0x12e: {  	_ =	swait.ge [sflag:s20], $0x8000  }
0x12f: {  	[sflag:s20] =	ssyncset.done $0x0  }
0x130: {  	[sflag:s20] =	ssyncadd.s32 $0xFFFF8000  }
0x131: {  	[spmem:s6] =	stream.indirect.scatter.add.f32 [tilespmem:s13], [sflag:$0x2], $0x1, s2, s21, $0xb8;
	[tilespmem:$0x1C580] =	vst v63  }
0x132: {  	_ = 	snop  }
0x133: {  	[spmem:s3] =	stream.indirect.scatter.add.f32 [tilespmem:s7], [sflag:$0x6], $0x80, s2, s21, $0xb8;
	[tilespmem:$0x1C580] =	vst v63  }
0x134: {  	_ =	swait.ge [sflag:s18], $0x4000  }
0x135: {  	[sflag:s18] =	ssyncset.done $0x0  }
0x136: {  	[sflag:s18] =	ssyncadd.s32 $0xFFFFC000  }
0x137: {  	[spmem:s6] =	stream.indirect.scatter.add.f32 [tilespmem:s13], [sflag:$0x2], $0x1, s4, s21, $0xb8;
	[tilespmem:$0x1C580] =	vst v63  }
0x138: {  	_ = 	snop  }
0x139: {  	[spmem:s3] =	stream.indirect.scatter.add.f32 [tilespmem:s22], [sflag:$0x6], $0x80, s4, s21, $0xb8;
	[tilespmem:$0x1C580] =	vst v63  }
0x13a: {  	_ =	swait.ge [sflag:s18], $0x4000  }
0x13b: {  	[sflag:s18] =	ssyncset.done $0x0  }
0x13c: {  	[sflag:s18] =	ssyncadd.s32 $0xFFFFC000  }
0x13d: {  	_ =	swait.ge [sflag:s28], $0x80  }
0x13e: {  	[sflag:s28] =	ssyncset.done $0x0  }
0x13f: {  	[sflag:s28] =	ssyncadd.s32 $0xFFFFFF80  }
0x140: {  	_ =	swait.ge [sflag:s28], $0x80  }
0x141: {  	[sflag:s28] =	ssyncset.done $0x0  }
0x142: {  	[sflag:s28] =	ssyncadd.s32 $0xFFFFFF80  }
0x143: {  	_ =	swait.ge [sflag:s28], $0x80  }
0x144: {  	[sflag:s28] =	ssyncset.done $0x0  }
0x145: {  	[sflag:s28] =	ssyncadd.s32 $0xFFFFFF80  }
0x146: {  	_ =	swait.ge [sflag:s28], $0x80  }
0x147: {  	[sflag:s28] =	ssyncset.done $0x0  }
0x148: {  	[sflag:s28] =	ssyncadd.s32 $0xFFFFFF80  }
0x149: {  	[bflag:$0x0] =	sbarrier.arrive $0xFFFF  }
0x14a: {  	s16 =	rddreg [dreg:$0x19]  }
0x14b: {  	[hbm:s16], [sflag:s8] =	dma.local [spmem:s19], $0x400  }
0x14c: {  	[tilespmem:s10], [sflag:$0x6] =	stream.linear.gather [spmem:s29], $0x40, $0x38;
	[tilespmem:$0x1C580] =	vst v63  }
0x14d: {  	_ =	swait.ge [sflag:s18], $0x40  }
0x14e: {  	[sflag:s18] =	ssyncset.done $0x0  }
0x14f: {  	s22 =	rddreg [dreg:$0x1a];
	[sflag:s18] =	ssyncadd.s32 $0xFFFFFFC0  }
0x150: {  	[hbm4b:s22+s7] =	stream.linear.scatter [tilespmem:s10], [sflag:$0x6], $0x40, $0x38;
	[tilespmem:$0x1C580] =	vst v63  }
0x151: {  	_ =	swait.ge [sflag:s18], $0x40  }
0x152: {  	[sflag:s18] =	ssyncset.done $0x0  }
0x153: {  	p0 =	sne.s32 s0, $0x1;
	[sflag:s18] =	ssyncadd.s32 $0xFFFFFFC0  }
.Ltmp1:
0x154: {  	_ =	swait.ge [sflag:s15], $0x400;
	(pc) =	sbr.rel @p0 .LBB2_2-.Ltmp1, $4  }
0x155: {  	[sflag:s15] =	ssyncset.done $0x0  }
0x156: {  	[sflag:s15] =	ssyncadd.s32 $0xFFFFFC00  }
0x157: {  	_ =	swait.ge [sflag:s15], $0x400  }
0x158: {  	s0 =	sadd.s32 $0xFFFFFFFF, s0;
	[sflag:s15] =	ssyncset.done $0x0  }
.LBB2_3:
0x159: {  	[sflag:s15] =	ssyncadd.s32 $0xFFFFFC00  }
0x15a: {  	_ =	sfence.sel $0x180000  }
0x15b: {  	[bflag:$0x0] =	sbarrier.arrive $0xFFFF  }
0x15c: {  	_ =	strace $0x90000047  }
0x15d: {  	s0 =	stileid.u32;
	[bflag:$0x2] =	sbarrier.arrive $0xFFFF  }
0x15e: {  	p0 =	sne.s32 s0, $0x0;
	s0 =	rddreg [dreg:$0xc]  }
0x15f: {  	s0 =	sadd.s32 @!p0 $0x100000, s0  }
0x160: {  	[sflag:s0] =	ssyncadd.tile.s32 @!p0 $0x1;
	_ =	shalt  }
.Lfunc_end2:
_tile_overlayer_lowered:
.L_overlay_start_2:
0x161: {  	(tag) =	ssettag $0x2  }
0x162: {  	s0 =	rddreg [dreg:$0x0];
	s2 =	stileid.u32  }
0x163: {  	s1 =	rddreg [dreg:$0x1];
	p0 =	sne.s32 s2, $0x0  }
0x164: {  	s3 =	rddreg [dreg:$0x2];
	[bflag:$0x3] =	sbarrier.arrive $0xFFFF;
	s2 =	simm.s32 @!p0 $0x1C06  }
0x165: {  	[timem:s3], [sflag:s2] =	dma.local @!p0 [hbm:s0], s1  }
0x166: {  	s0 =	simm.s32 @!p0 $0x6  }
0x167: {  	_ =	swait.ge @!p0 [sflag:s0], s1  }
0x168: {  	s1 =	ssub.s32 @!p0 $0x0, s1;
	[sflag:s0] =	ssyncset.done @!p0 $0x0  }
0x169: {  	[sflag:s0] =	ssyncadd.s32 @!p0 s1  }
0x16a: {  	[bflag:$0x3] =	sbarrier.arrive $0xFFFF  }
0x16b: {  	_ =	shalt  }

</sc_bundles>
